<compile_context>
chip_gen: v7x
topology: tpu7x:2x2x1
jax: 0.10.2.dev20260603
libtpu: 0.0.44.dev20260713+nightly
codegen_flags: <defaults>
</compile_context>

<pallas_src>
import functools

import jax
import jax.numpy as jnp
from jax import lax
from jax.experimental import pallas as pl
from jax.experimental.pallas import tpu as pltpu
from jax.experimental.pallas import tpu_sc as plsc

N = 10000
E = 320000
D = 128
DC = 16
NPAD = 10240
NC, NS = 2, 16
NW = NC * NS
EPW = E // NW
CH = 80
NCH = EPW // CH
RPT = NPAD // NS
ZR = CH


def _sc_aggregate(x, src, dst):
    mesh = plsc.VectorSubcoreMesh(
        core_axis_name="core", subcore_axis_name="subcore",
        num_cores=NC, num_subcores=NS)

    @functools.partial(
        pl.kernel,
        out_type=(jax.ShapeDtypeStruct((NC, NPAD, D), jnp.float32),
                  jax.ShapeDtypeStruct((NC, NPAD, DC), jnp.float32)),
        mesh=mesh,
        compiler_params=pltpu.CompilerParams(use_tc_tiling_on_sc=False),
        scratch_types=[
            pltpu.VMEM((CH,), jnp.int32),
            pltpu.VMEM((CH,), jnp.int32),
            pltpu.VMEM((CH,), jnp.int32),
            pltpu.VMEM((CH,), jnp.int32),
            pltpu.VMEM((CH, D), jnp.float32),
            pltpu.VMEM((CH, D), jnp.float32),
            pltpu.VMEM((CH, DC), jnp.float32),
            pltpu.SemaphoreType.DMA,
            pltpu.SemaphoreType.DMA,
            pltpu.SemaphoreType.DMA,
            pltpu.SemaphoreType.DMA,
            pltpu.SemaphoreType.DMA,
            pltpu.VMEM_SHARED((NPAD, D), jnp.float32),
            pltpu.VMEM_SHARED((NPAD, DC), jnp.float32),
        ],
    )
    def agg_kernel(x_hbm, src_hbm, dst_hbm, out_hbm, cnt_hbm,
                   src0, src1, dst0, dst1, rows0, rows1, ones_v,
                   gsem0, gsem1, isem0, isem1, csem, acc, cacc):
        cid = lax.axis_index("core")
        sid = lax.axis_index("subcore")
        wid = cid * NS + sid
        base = wid * EPW

        @pl.loop(0, ZR)
        def _(i):
            @pl.loop(0, D, step=16)
            def _(j):
                rows0[pl.ds(i, 1), pl.ds(j, 16)] = jnp.zeros(
                    (1, 16), jnp.float32)

        @pl.loop(0, RPT, step=ZR)
        def _(r):
            pltpu.sync_copy(rows0, acc.at[pl.ds(sid * RPT + r, ZR)])

        @pl.loop(0, CH)
        def _(i):
            ones_v[pl.ds(i, 1), pl.ds(0, 16)] = jnp.zeros((1, 16), jnp.float32)

        @pl.loop(0, RPT, step=ZR)
        def _(r):
            pltpu.sync_copy(ones_v, cacc.at[pl.ds(sid * RPT + r, ZR)])

        @pl.loop(0, CH)
        def _(i):
            ones_v[pl.ds(i, 1), pl.ds(0, 16)] = jnp.ones((1, 16), jnp.float32)

        plsc.subcore_barrier()

        def idx_load(g, sv, dv, sem):
            pltpu.async_copy(src_hbm.at[pl.ds(base + g * CH, CH)], sv, sem)
            pltpu.async_copy(dst_hbm.at[pl.ds(base + g * CH, CH)], dv, sem)

        def idx_wait(g, sv, dv, sem):
            pltpu.make_async_copy(
                src_hbm.at[pl.ds(base + g * CH, CH)], sv, sem).wait()
            pltpu.make_async_copy(
                dst_hbm.at[pl.ds(base + g * CH, CH)], dv, sem).wait()

        def gather(sv, rows, sem):
            pltpu.async_copy(x_hbm.at[sv], rows, sem)

        def gwait(sv, rows, sem):
            pltpu.make_async_copy(x_hbm.at[sv], rows, sem).wait()

        def scatter(dv, rows):
            pltpu.async_copy(ones_v, cacc.at[dv], csem, add=True)
            pltpu.sync_copy(rows, acc.at[dv], add=True)
            pltpu.make_async_copy(ones_v, cacc.at[dv], csem).wait()

        idx_load(0, src0, dst0, isem0)
        idx_wait(0, src0, dst0, isem0)
        gather(src0, rows0, gsem0)
        idx_load(1, src1, dst1, isem1)

        @pl.loop(0, NCH - 1, step=2)
        def _(g):
            gwait(src0, rows0, gsem0)
            idx_wait(g + 1, src1, dst1, isem1)
            gather(src1, rows1, gsem1)
            scatter(dst0, rows0)

            @pl.when(g + 2 < NCH)
            def _():
                idx_load(g + 2, src0, dst0, isem0)

            gwait(src1, rows1, gsem1)

            @pl.when(g + 2 < NCH)
            def _():
                idx_wait(g + 2, src0, dst0, isem0)
                gather(src0, rows0, gsem0)

            scatter(dst1, rows1)

            @pl.when(g + 3 < NCH)
            def _():
                idx_load(g + 3, src1, dst1, isem1)

        gwait(src0, rows0, gsem0)
        scatter(dst0, rows0)

        plsc.subcore_barrier()
        pltpu.sync_copy(acc.at[pl.ds(sid * RPT, RPT)],
                        out_hbm.at[cid, pl.ds(sid * RPT, RPT)])
        pltpu.sync_copy(cacc.at[pl.ds(sid * RPT, RPT)],
                        cnt_hbm.at[cid, pl.ds(sid * RPT, RPT)])

    return agg_kernel(x, src, dst)


def _tc_right(x, W_r, b_l):
    BR = 2000

    def body(x_ref, wr_ref, b_ref, o_ref):
        o_ref[...] = (
            jnp.dot(x_ref[...], wr_ref[...], preferred_element_type=jnp.float32)
            + b_ref[...]
        )

    return pl.pallas_call(
        body,
        grid=(N // BR,),
        in_specs=[
            pl.BlockSpec((BR, D), lambda i: (i, 0)),
            pl.BlockSpec((D, D), lambda i: (0, 0)),
            pl.BlockSpec((1, D), lambda i: (0, 0)),
        ],
        out_specs=pl.BlockSpec((BR, D), lambda i: (i, 0)),
        out_shape=jax.ShapeDtypeStruct((N, D), jnp.float32),
    )(x, W_r, b_l.reshape(1, D))


def _tc_combine(partials, counts, x, W_l, b_l, W_r):
    BR = 2000

    def body(p_ref, c_ref, x_ref, wl_ref, wr_ref, b_ref, o_ref):
        agg = p_ref[0] + p_ref[1]
        cnt = c_ref[0, :, :1] + c_ref[1, :, :1]
        mean = agg / jnp.maximum(cnt, 1.0)
        o_ref[...] = (
            jnp.dot(mean, wl_ref[...], preferred_element_type=jnp.float32)
            + jnp.dot(x_ref[...], wr_ref[...], preferred_element_type=jnp.float32)
            + b_ref[...]
        )

    return pl.pallas_call(
        body,
        grid=(N // BR,),
        in_specs=[
            pl.BlockSpec((NC, BR, D), lambda i: (0, i, 0)),
            pl.BlockSpec((NC, BR, DC), lambda i: (0, i, 0)),
            pl.BlockSpec((BR, D), lambda i: (i, 0)),
            pl.BlockSpec((D, D), lambda i: (0, 0)),
            pl.BlockSpec((D, D), lambda i: (0, 0)),
            pl.BlockSpec((1, D), lambda i: (0, 0)),
        ],
        out_specs=pl.BlockSpec((BR, D), lambda i: (i, 0)),
        out_shape=jax.ShapeDtypeStruct((N, D), jnp.float32),
    )(partials, counts, x, W_l, W_r, b_l.reshape(1, D))


def kernel(x, edge_index, W_l, b_l, W_r):
    src = edge_index[0]
    dst = edge_index[1]
    partials, counts = _sc_aggregate(x, src, dst)
    return _tc_combine(partials, counts, x, W_l, b_l, W_r)

# --- scband reference (transcript-rebuilt; emitter-appended) ---
"""Pipeline reference for scband-inductive-model-52759378264194 (READ-ONLY COPY).

The authoritative reference and input builder live on the scoring server;
editing this copy changes nothing except your own understanding.
"""

import jax, jax.numpy as jnp
import numpy as np

N_NODES = 10000
N_EDGES = 320000
D = 128

def setup_inputs(seed: int = 0) -> dict:
    key = jax.random.key(seed)
    k1, k2, k3, k4 = jax.random.split(key, 4)
    x = jax.random.normal(k1, (N_NODES, D), dtype=jnp.float32)
    edge_index = jax.random.randint(k2, (2, N_EDGES), 0, N_NODES)
    scale = 1.0 / np.sqrt(D)
    W_l = jax.random.normal(k3, (D, D), dtype=jnp.float32) * scale
    W_r = jax.random.normal(k4, (D, D), dtype=jnp.float32) * scale
    b_l = jnp.zeros((D,), dtype=jnp.float32)
    return {"x": x, "edge_index": edge_index, "W_l": W_l, "b_l": b_l, "W_r": W_r}

def reference(x, edge_index, W_l, b_l, W_r):
    # Single SAGEConv(in=128, out=128, aggr='mean') layer (hidden_features_size=[]).
    # PyG SAGEConv: out = lin_l(mean_{j in N(i)} x_j) + lin_r(x_i)
    src = edge_index[0]
    dst = edge_index[1]
    msgs = jnp.take(x, src, axis=0)  # gather source node features per edge
    summed = jax.ops.segment_sum(msgs, dst, num_segments=N_NODES)
    counts = jax.ops.segment_sum(jnp.ones((msgs.shape[0],), dtype=jnp.float32), dst, num_segments=N_NODES)
    mean_aggr = summed / jnp.clip(counts, 1.0)[:, None]
    out = mean_aggr @ W_l + b_l + x @ W_r
    # Last (only) layer: no ReLU applied (relu only between layers)
    return out

if __name__ == "__main__":
    import jax
    _d = setup_inputs()
    print(jax.jit(kernel)(*tuple(_d.values())))

</pallas_src>

<mosaic_0001>
#map = affine_map<(d0, d1) -> (0, 0)>
#map1 = affine_map<(d0, d1) -> (0)>
#map2 = affine_map<(d0, d1) -> (0, 0, 0)>
module attributes {stable_mosaic.version = 14 : i64} {
  func.func @agg_kernel(%arg0: i32, %arg1: i32, %arg2: memref<10000x128xf32, #tpu.memory_space<hbm>>, %arg3: memref<320000xi32, #tpu.memory_space<hbm>>, %arg4: memref<320000xi32, #tpu.memory_space<hbm>>, %arg5: memref<2x10240x128xf32, #tpu.memory_space<hbm>>, %arg6: memref<2x10240x16xf32, #tpu.memory_space<hbm>>, %arg7: memref<80xi32, #tpu.memory_space<vmem>>, %arg8: memref<80xi32, #tpu.memory_space<vmem>>, %arg9: memref<80xi32, #tpu.memory_space<vmem>>, %arg10: memref<80xi32, #tpu.memory_space<vmem>>, %arg11: memref<80x128xf32, #tpu.memory_space<vmem>>, %arg12: memref<80x128xf32, #tpu.memory_space<vmem>>, %arg13: memref<80x16xf32, #tpu.memory_space<vmem>>, %arg14: memref<!tpu.dma_semaphore, #tpu.memory_space<semaphore_mem>>, %arg15: memref<!tpu.dma_semaphore, #tpu.memory_space<semaphore_mem>>, %arg16: memref<!tpu.dma_semaphore, #tpu.memory_space<semaphore_mem>>, %arg17: memref<!tpu.dma_semaphore, #tpu.memory_space<semaphore_mem>>, %arg18: memref<!tpu.dma_semaphore, #tpu.memory_space<semaphore_mem>>, %arg19: memref<10240x128xf32, #tpu.memory_space<vmem_shared>>, %arg20: memref<10240x16xf32, #tpu.memory_space<vmem_shared>>) attributes {dimension_semantics = [#tpu.dimension_semantics<core_parallel>, #tpu.dimension_semantics<subcore_parallel>], iteration_bounds = array<i64: 2, 16>, scalar_prefetch = 0 : i64, scratch_operands = 14 : i64, tpu.core_type = #tpu.core_type<sc_vector_subcore>, window_params = [{transform_indices = #map}, {transform_indices = #map1}, {transform_indices = #map1}, {transform_indices = #map2}, {transform_indices = #map2}]} {
    %mul3A = arith.constant 16 : i32
    %mul3A_0 = arith.muli %arg0, %mul3A : i32
    %add3A = arith.addi %mul3A_0, %arg1 : i32
    %mul3A_1 = arith.constant 10000 : i32
    %mul3A_2 = arith.muli %add3A, %mul3A_1 : i32
    %scan3A = arith.constant 0 : i32
    %scan3A_3 = arith.constant 80 : i32
    %scan3A_4 = arith.addi %scan3A, %scan3A_3 : i32
    %scan3A_5 = arith.constant 1 : i32
    scf.for %scan3A_75 = %scan3A to %scan3A_4 step %scan3A_5  : i32 {
      %mul3A_76 = arith.constant 1 : i32
      %mul3A_77 = arith.muli %scan3A_75, %mul3A_76 : i32
      %add3A_78 = arith.constant 0 : i32
      %add3A_79 = arith.addi %add3A_78, %mul3A_77 : i32
      %scan3A_80 = arith.constant 0 : i32
      %scan3A_81 = arith.constant 8 : i32
      %scan3A_82 = arith.addi %scan3A_80, %scan3A_81 : i32
      %scan3A_83 = arith.constant 1 : i32
      scf.for %scan3A_85 = %scan3A_80 to %scan3A_82 step %scan3A_83  : i32 {
        %mul3A_86 = arith.constant 16 : i32
        %mul3A_87 = arith.muli %scan3A_85, %mul3A_86 : i32
        %add3A_88 = arith.constant 0 : i32
        %add3A_89 = arith.addi %add3A_88, %mul3A_87 : i32
        %broadcast_in_dim3A = arith.constant 0.000000e+00 : f32
        %broadcast_in_dim3A_90 = vector.broadcast %broadcast_in_dim3A : f32 to vector<1x16xf32>
        %swap3A = arith.index_cast %add3A_79 : i32 to index
        %swap3A_91 = arith.index_cast %add3A_89 : i32 to index
        %swap3A_92 = tpu.vector_load %arg11[%swap3A, %swap3A_91] {strides = array<i32>} : memref<80x128xf32, #tpu.memory_space<vmem>>, vector<1x16xf32>,
        %swap3A_93 = vector.shape_cast %swap3A_92 : vector<1x16xf32> to vector<1x16xf32>
        %swap3A_94 = vector.shape_cast %broadcast_in_dim3A_90 : vector<1x16xf32> to vector<1x16xf32>
        tpu.vector_store %arg11[%swap3A, %swap3A_91], %swap3A_94 {strides = array<i32>} : memref<80x128xf32, #tpu.memory_space<vmem>>, vector<1x16xf32>,
      }
      %scan3A_84 = arith.constant 8 : i32
    }
    %scan3A_6 = arith.constant 80 : i32
    %scan3A_7 = arith.constant 0 : i32
    %scan3A_8 = arith.constant 8 : i32
    %scan3A_9 = arith.addi %scan3A_7, %scan3A_8 : i32
    %scan3A_10 = arith.constant 1 : i32
    scf.for %scan3A_75 = %scan3A_7 to %scan3A_9 step %scan3A_10  : i32 {
      %mul3A_76 = arith.constant 80 : i32
      %mul3A_77 = arith.muli %scan3A_75, %mul3A_76 : i32
      %add3A_78 = arith.constant 0 : i32
      %add3A_79 = arith.addi %add3A_78, %mul3A_77 : i32
      %mul3A_80 = arith.constant 640 : i32
      %mul3A_81 = arith.muli %arg1, %mul3A_80 : i32
      %add3A_82 = arith.addi %mul3A_81, %add3A_79 : i32
      "tpu.region"() ({
        %run_scoped3A = tpu.sem_alloc : memref<!tpu.dma_semaphore, #tpu.memory_space<semaphore_mem>>
        %dma_start3A_83 = arith.constant 0 : i32
        %dma_start3A_84 = tpu.memref_slice %arg19[%add3A_82, %dma_start3A_83] : memref<10240x128xf32, #tpu.memory_space<vmem_shared>> -> memref<80x128xf32, #tpu.memory_space<vmem_shared>>
        %dma_start3A_85 = arith.constant 0 : i32
        %dma_start3A_86 = tpu.memref_slice %arg19[%add3A_82, %dma_start3A_85] : memref<10240x128xf32, #tpu.memory_space<vmem_shared>> -> memref<80x128xf32, #tpu.memory_space<vmem_shared>>
        tpu.enqueue_dma source(%arg11 : memref<80x128xf32, #tpu.memory_space<vmem>>) target(%dma_start3A_86 : memref<80x128xf32, #tpu.memory_space<vmem_shared>>) target_semaphore(%run_scoped3A : memref<!tpu.dma_semaphore, #tpu.memory_space<semaphore_mem>>)
        %dma_wait3A_87 = arith.constant 0 : i32
        %dma_wait3A_88 = tpu.memref_slice %arg19[%add3A_82, %dma_wait3A_87] : memref<10240x128xf32, #tpu.memory_space<vmem_shared>> -> memref<80x128xf32, #tpu.memory_space<vmem_shared>>
        %dma_wait3A_89 = arith.constant 0 : i32
        %dma_wait3A_90 = tpu.memref_slice %arg19[%add3A_82, %dma_wait3A_89] : memref<10240x128xf32, #tpu.memory_space<vmem_shared>> -> memref<80x128xf32, #tpu.memory_space<vmem_shared>>
        tpu.wait_dma2 semaphore(%run_scoped3A : memref<!tpu.dma_semaphore, #tpu.memory_space<semaphore_mem>>) src(%arg11 : memref<80x128xf32, #tpu.memory_space<vmem>>) dst(%dma_wait3A_90 : memref<80x128xf32, #tpu.memory_space<vmem_shared>>)
        tpu.yield
      }) : () -> ()
    }
    %scan3A_11 = arith.constant 8 : i32
    %scan3A_12 = arith.constant 0 : i32
    %scan3A_13 = arith.constant 80 : i32
    %scan3A_14 = arith.addi %scan3A_12, %scan3A_13 : i32
    %scan3A_15 = arith.constant 1 : i32
    scf.for %scan3A_75 = %scan3A_12 to %scan3A_14 step %scan3A_15  : i32 {
      %mul3A_76 = arith.constant 1 : i32
      %mul3A_77 = arith.muli %scan3A_75, %mul3A_76 : i32
      %add3A_78 = arith.constant 0 : i32
      %add3A_79 = arith.addi %add3A_78, %mul3A_77 : i32
      %broadcast_in_dim3A = arith.constant 0.000000e+00 : f32
      %broadcast_in_dim3A_80 = vector.broadcast %broadcast_in_dim3A : f32 to vector<1x16xf32>
      %swap3A = arith.index_cast %add3A_79 : i32 to index
      %swap3A_81 = arith.constant 0 : index
      %swap3A_82 = tpu.vector_load %arg13[%swap3A, %swap3A_81] {strides = array<i32>} : memref<80x16xf32, #tpu.memory_space<vmem>>, vector<1x16xf32>,
      %swap3A_83 = vector.shape_cast %swap3A_82 : vector<1x16xf32> to vector<1x16xf32>
      %swap3A_84 = vector.shape_cast %broadcast_in_dim3A_80 : vector<1x16xf32> to vector<1x16xf32>
      tpu.vector_store %arg13[%swap3A, %swap3A_81], %swap3A_84 {strides = array<i32>} : memref<80x16xf32, #tpu.memory_space<vmem>>, vector<1x16xf32>,
    }
    %scan3A_16 = arith.constant 80 : i32
    %scan3A_17 = arith.constant 0 : i32
    %scan3A_18 = arith.constant 8 : i32
    %scan3A_19 = arith.addi %scan3A_17, %scan3A_18 : i32
    %scan3A_20 = arith.constant 1 : i32
    scf.for %scan3A_75 = %scan3A_17 to %scan3A_19 step %scan3A_20  : i32 {
      %mul3A_76 = arith.constant 80 : i32
      %mul3A_77 = arith.muli %scan3A_75, %mul3A_76 : i32
      %add3A_78 = arith.constant 0 : i32
      %add3A_79 = arith.addi %add3A_78, %mul3A_77 : i32
      %mul3A_80 = arith.constant 640 : i32
      %mul3A_81 = arith.muli %arg1, %mul3A_80 : i32
      %add3A_82 = arith.addi %mul3A_81, %add3A_79 : i32
      "tpu.region"() ({
        %run_scoped3A = tpu.sem_alloc : memref<!tpu.dma_semaphore, #tpu.memory_space<semaphore_mem>>
        %dma_start3A_83 = arith.constant 0 : i32
        %dma_start3A_84 = tpu.memref_slice %arg20[%add3A_82, %dma_start3A_83] : memref<10240x16xf32, #tpu.memory_space<vmem_shared>> -> memref<80x16xf32, #tpu.memory_space<vmem_shared>>
        %dma_start3A_85 = arith.constant 0 : i32
        %dma_start3A_86 = tpu.memref_slice %arg20[%add3A_82, %dma_start3A_85] : memref<10240x16xf32, #tpu.memory_space<vmem_shared>> -> memref<80x16xf32, #tpu.memory_space<vmem_shared>>
        tpu.enqueue_dma source(%arg13 : memref<80x16xf32, #tpu.memory_space<vmem>>) target(%dma_start3A_86 : memref<80x16xf32, #tpu.memory_space<vmem_shared>>) target_semaphore(%run_scoped3A : memref<!tpu.dma_semaphore, #tpu.memory_space<semaphore_mem>>)
        %dma_wait3A_87 = arith.constant 0 : i32
        %dma_wait3A_88 = tpu.memref_slice %arg20[%add3A_82, %dma_wait3A_87] : memref<10240x16xf32, #tpu.memory_space<vmem_shared>> -> memref<80x16xf32, #tpu.memory_space<vmem_shared>>
        %dma_wait3A_89 = arith.constant 0 : i32
        %dma_wait3A_90 = tpu.memref_slice %arg20[%add3A_82, %dma_wait3A_89] : memref<10240x16xf32, #tpu.memory_space<vmem_shared>> -> memref<80x16xf32, #tpu.memory_space<vmem_shared>>
        tpu.wait_dma2 semaphore(%run_scoped3A : memref<!tpu.dma_semaphore, #tpu.memory_space<semaphore_mem>>) src(%arg13 : memref<80x16xf32, #tpu.memory_space<vmem>>) dst(%dma_wait3A_90 : memref<80x16xf32, #tpu.memory_space<vmem_shared>>)
        tpu.yield
      }) : () -> ()
    }
    %scan3A_21 = arith.constant 8 : i32
    %scan3A_22 = arith.constant 0 : i32
    %scan3A_23 = arith.constant 80 : i32
    %scan3A_24 = arith.addi %scan3A_22, %scan3A_23 : i32
    %scan3A_25 = arith.constant 1 : i32
    scf.for %scan3A_75 = %scan3A_22 to %scan3A_24 step %scan3A_25  : i32 {
      %mul3A_76 = arith.constant 1 : i32
      %mul3A_77 = arith.muli %scan3A_75, %mul3A_76 : i32
      %add3A_78 = arith.constant 0 : i32
      %add3A_79 = arith.addi %add3A_78, %mul3A_77 : i32
      %broadcast_in_dim3A = arith.constant 1.000000e+00 : f32
      %broadcast_in_dim3A_80 = vector.broadcast %broadcast_in_dim3A : f32 to vector<1x16xf32>
      %swap3A = arith.index_cast %add3A_79 : i32 to index
      %swap3A_81 = arith.constant 0 : index
      %swap3A_82 = tpu.vector_load %arg13[%swap3A, %swap3A_81] {strides = array<i32>} : memref<80x16xf32, #tpu.memory_space<vmem>>, vector<1x16xf32>,
      %swap3A_83 = vector.shape_cast %swap3A_82 : vector<1x16xf32> to vector<1x16xf32>
      %swap3A_84 = vector.shape_cast %broadcast_in_dim3A_80 : vector<1x16xf32> to vector<1x16xf32>
      tpu.vector_store %arg13[%swap3A, %swap3A_81], %swap3A_84 {strides = array<i32>} : memref<80x16xf32, #tpu.memory_space<vmem>>, vector<1x16xf32>,
    }
    %scan3A_26 = arith.constant 80 : i32
    %barrier3A = arith.constant 0 : index
    tpu.barrier barrier_id(%barrier3A)
    %add3A_27 = arith.constant 0 : i32
    %add3A_28 = arith.addi %mul3A_2, %add3A_27 : i32
    %dma_start3A = tpu.memref_slice %arg3[%add3A_28] : memref<320000xi32, #tpu.memory_space<hbm>> -> memref<80xi32, #tpu.memory_space<hbm>>
    %dma_start3A_29 = tpu.memref_slice %arg3[%add3A_28] : memref<320000xi32, #tpu.memory_space<hbm>> -> memref<80xi32, #tpu.memory_space<hbm>>
    tpu.enqueue_dma source(%dma_start3A_29 : memref<80xi32, #tpu.memory_space<hbm>>) target(%arg7 : memref<80xi32, #tpu.memory_space<vmem>>) target_semaphore(%arg16 : memref<!tpu.dma_semaphore, #tpu.memory_space<semaphore_mem>>)
    %add3A_30 = arith.constant 0 : i32
    %add3A_31 = arith.addi %mul3A_2, %add3A_30 : i32
    %dma_start3A_32 = tpu.memref_slice %arg4[%add3A_31] : memref<320000xi32, #tpu.memory_space<hbm>> -> memref<80xi32, #tpu.memory_space<hbm>>
    %dma_start3A_33 = tpu.memref_slice %arg4[%add3A_31] : memref<320000xi32, #tpu.memory_space<hbm>> -> memref<80xi32, #tpu.memory_space<hbm>>
    tpu.enqueue_dma source(%dma_start3A_33 : memref<80xi32, #tpu.memory_space<hbm>>) target(%arg9 : memref<80xi32, #tpu.memory_space<vmem>>) target_semaphore(%arg16 : memref<!tpu.dma_semaphore, #tpu.memory_space<semaphore_mem>>)
    %add3A_34 = arith.constant 0 : i32
    %add3A_35 = arith.addi %mul3A_2, %add3A_34 : i32
    %dma_wait3A = tpu.memref_slice %arg3[%add3A_35] : memref<320000xi32, #tpu.memory_space<hbm>> -> memref<80xi32, #tpu.memory_space<hbm>>
    %dma_wait3A_36 = tpu.memref_slice %arg3[%add3A_35] : memref<320000xi32, #tpu.memory_space<hbm>> -> memref<80xi32, #tpu.memory_space<hbm>>
    tpu.wait_dma2 semaphore(%arg16 : memref<!tpu.dma_semaphore, #tpu.memory_space<semaphore_mem>>) src(%dma_wait3A_36 : memref<80xi32, #tpu.memory_space<hbm>>) dst(%arg7 : memref<80xi32, #tpu.memory_space<vmem>>)
    %add3A_37 = arith.constant 0 : i32
    %add3A_38 = arith.addi %mul3A_2, %add3A_37 : i32
    %dma_wait3A_39 = tpu.memref_slice %arg4[%add3A_38] : memref<320000xi32, #tpu.memory_space<hbm>> -> memref<80xi32, #tpu.memory_space<hbm>>
    %dma_wait3A_40 = tpu.memref_slice %arg4[%add3A_38] : memref<320000xi32, #tpu.memory_space<hbm>> -> memref<80xi32, #tpu.memory_space<hbm>>
    tpu.wait_dma2 semaphore(%arg16 : memref<!tpu.dma_semaphore, #tpu.memory_space<semaphore_mem>>) src(%dma_wait3A_40 : memref<80xi32, #tpu.memory_space<hbm>>) dst(%arg9 : memref<80xi32, #tpu.memory_space<vmem>>)
    %dma_start3A_41 = arith.constant 0 : i32
    %dma_start3A_42 = arith.constant 0 : i32
    %dma_start3A_43 = tpu.memref_slice %arg2[%dma_start3A_41, %dma_start3A_42] : memref<10000x128xf32, #tpu.memory_space<hbm>> -> memref<10000x128xf32, #tpu.memory_space<hbm>>
    tpu.enqueue_indirect_dma source(%dma_start3A_43 : memref<10000x128xf32, #tpu.memory_space<hbm>>) target(%arg11 : memref<80x128xf32, #tpu.memory_space<vmem>>) offsets(%arg7 : memref<80xi32, #tpu.memory_space<vmem>>) semaphore(%arg14 : memref<!tpu.dma_semaphore, #tpu.memory_space<semaphore_mem>>)
    %add3A_44 = arith.constant 80 : i32
    %add3A_45 = arith.addi %mul3A_2, %add3A_44 : i32
    %dma_start3A_46 = tpu.memref_slice %arg3[%add3A_45] : memref<320000xi32, #tpu.memory_space<hbm>> -> memref<80xi32, #tpu.memory_space<hbm>>
    %dma_start3A_47 = tpu.memref_slice %arg3[%add3A_45] : memref<320000xi32, #tpu.memory_space<hbm>> -> memref<80xi32, #tpu.memory_space<hbm>>
    tpu.enqueue_dma source(%dma_start3A_47 : memref<80xi32, #tpu.memory_space<hbm>>) target(%arg8 : memref<80xi32, #tpu.memory_space<vmem>>) target_semaphore(%arg17 : memref<!tpu.dma_semaphore, #tpu.memory_space<semaphore_mem>>)
    %add3A_48 = arith.constant 80 : i32
    %add3A_49 = arith.addi %mul3A_2, %add3A_48 : i32
    %dma_start3A_50 = tpu.memref_slice %arg4[%add3A_49] : memref<320000xi32, #tpu.memory_space<hbm>> -> memref<80xi32, #tpu.memory_space<hbm>>
    %dma_start3A_51 = tpu.memref_slice %arg4[%add3A_49] : memref<320000xi32, #tpu.memory_space<hbm>> -> memref<80xi32, #tpu.memory_space<hbm>>
    tpu.enqueue_dma source(%dma_start3A_51 : memref<80xi32, #tpu.memory_space<hbm>>) target(%arg10 : memref<80xi32, #tpu.memory_space<vmem>>) target_semaphore(%arg17 : memref<!tpu.dma_semaphore, #tpu.memory_space<semaphore_mem>>)
    %scan3A_52 = arith.constant 0 : i32
    %scan3A_53 = arith.constant 62 : i32
    %scan3A_54 = arith.addi %scan3A_52, %scan3A_53 : i32
    %scan3A_55 = arith.constant 1 : i32
    scf.for %scan3A_75 = %scan3A_52 to %scan3A_54 step %scan3A_55  : i32 {
      %mul3A_76 = arith.constant 2 : i32
      %mul3A_77 = arith.muli %scan3A_75, %mul3A_76 : i32
      %add3A_78 = arith.constant 0 : i32
      %add3A_79 = arith.addi %add3A_78, %mul3A_77 : i32
      %dma_wait3A_80 = arith.constant 0 : i32
      %dma_wait3A_81 = arith.constant 0 : i32
      %dma_wait3A_82 = tpu.memref_slice %arg2[%dma_wait3A_80, %dma_wait3A_81] : memref<10000x128xf32, #tpu.memory_space<hbm>> -> memref<10000x128xf32, #tpu.memory_space<hbm>>
      tpu.wait_indirect_dma semaphore(%arg14 : memref<!tpu.dma_semaphore, #tpu.memory_space<semaphore_mem>>) src(%dma_wait3A_82 : memref<10000x128xf32, #tpu.memory_space<hbm>>) dst(%arg11 : memref<80x128xf32, #tpu.memory_space<vmem>>)
      %add3A_83 = arith.constant 1 : i32
      %add3A_84 = arith.addi %add3A_79, %add3A_83 : i32
      %mul3A_85 = arith.constant 80 : i32
      %mul3A_86 = arith.muli %add3A_84, %mul3A_85 : i32
      %add3A_87 = arith.addi %mul3A_2, %mul3A_86 : i32
      %dma_wait3A_88 = tpu.memref_slice %arg3[%add3A_87] : memref<320000xi32, #tpu.memory_space<hbm>> -> memref<80xi32, #tpu.memory_space<hbm>>
      %dma_wait3A_89 = tpu.memref_slice %arg3[%add3A_87] : memref<320000xi32, #tpu.memory_space<hbm>> -> memref<80xi32, #tpu.memory_space<hbm>>
      tpu.wait_dma2 semaphore(%arg17 : memref<!tpu.dma_semaphore, #tpu.memory_space<semaphore_mem>>) src(%dma_wait3A_89 : memref<80xi32, #tpu.memory_space<hbm>>) dst(%arg8 : memref<80xi32, #tpu.memory_space<vmem>>)
      %mul3A_90 = arith.constant 80 : i32
      %mul3A_91 = arith.muli %add3A_84, %mul3A_90 : i32
      %add3A_92 = arith.addi %mul3A_2, %mul3A_91 : i32
      %dma_wait3A_93 = tpu.memref_slice %arg4[%add3A_92] : memref<320000xi32, #tpu.memory_space<hbm>> -> memref<80xi32, #tpu.memory_space<hbm>>
      %dma_wait3A_94 = tpu.memref_slice %arg4[%add3A_92] : memref<320000xi32, #tpu.memory_space<hbm>> -> memref<80xi32, #tpu.memory_space<hbm>>
      tpu.wait_dma2 semaphore(%arg17 : memref<!tpu.dma_semaphore, #tpu.memory_space<semaphore_mem>>) src(%dma_wait3A_94 : memref<80xi32, #tpu.memory_space<hbm>>) dst(%arg10 : memref<80xi32, #tpu.memory_space<vmem>>)
      %dma_start3A_95 = arith.constant 0 : i32
      %dma_start3A_96 = arith.constant 0 : i32
      %dma_start3A_97 = tpu.memref_slice %arg2[%dma_start3A_95, %dma_start3A_96] : memref<10000x128xf32, #tpu.memory_space<hbm>> -> memref<10000x128xf32, #tpu.memory_space<hbm>>
      tpu.enqueue_indirect_dma source(%dma_start3A_97 : memref<10000x128xf32, #tpu.memory_space<hbm>>) target(%arg12 : memref<80x128xf32, #tpu.memory_space<vmem>>) offsets(%arg8 : memref<80xi32, #tpu.memory_space<vmem>>) semaphore(%arg15 : memref<!tpu.dma_semaphore, #tpu.memory_space<semaphore_mem>>)
      %dma_start3A_98 = arith.constant 0 : i32
      %dma_start3A_99 = arith.constant 0 : i32
      %dma_start3A_100 = tpu.memref_slice %arg20[%dma_start3A_98, %dma_start3A_99] : memref<10240x16xf32, #tpu.memory_space<vmem_shared>> -> memref<10240x16xf32, #tpu.memory_space<vmem_shared>>
      tpu.enqueue_indirect_dma source(%arg13 : memref<80x16xf32, #tpu.memory_space<vmem>>) target(%dma_start3A_100 : memref<10240x16xf32, #tpu.memory_space<vmem_shared>>) offsets(%arg9 : memref<80xi32, #tpu.memory_space<vmem>>) semaphore(%arg18 : memref<!tpu.dma_semaphore, #tpu.memory_space<semaphore_mem>>) {add = true}
      "tpu.region"() ({
        %run_scoped3A = tpu.sem_alloc : memref<!tpu.dma_semaphore, #tpu.memory_space<semaphore_mem>>
        %dma_start3A_131 = arith.constant 0 : i32
        %dma_start3A_132 = arith.constant 0 : i32
        %dma_start3A_133 = tpu.memref_slice %arg19[%dma_start3A_131, %dma_start3A_132] : memref<10240x128xf32, #tpu.memory_space<vmem_shared>> -> memref<10240x128xf32, #tpu.memory_space<vmem_shared>>
        tpu.enqueue_indirect_dma source(%arg11 : memref<80x128xf32, #tpu.memory_space<vmem>>) target(%dma_start3A_133 : memref<10240x128xf32, #tpu.memory_space<vmem_shared>>) offsets(%arg9 : memref<80xi32, #tpu.memory_space<vmem>>) semaphore(%run_scoped3A : memref<!tpu.dma_semaphore, #tpu.memory_space<semaphore_mem>>) {add = true}
        %dma_wait3A_134 = arith.constant 0 : i32
        %dma_wait3A_135 = arith.constant 0 : i32
        %dma_wait3A_136 = tpu.memref_slice %arg19[%dma_wait3A_134, %dma_wait3A_135] : memref<10240x128xf32, #tpu.memory_space<vmem_shared>> -> memref<10240x128xf32, #tpu.memory_space<vmem_shared>>
        tpu.wait_indirect_dma semaphore(%run_scoped3A : memref<!tpu.dma_semaphore, #tpu.memory_space<semaphore_mem>>) src(%arg11 : memref<80x128xf32, #tpu.memory_space<vmem>>) dst(%dma_wait3A_136 : memref<10240x128xf32, #tpu.memory_space<vmem_shared>>)
        tpu.yield
      }) : () -> ()
      %dma_wait3A_101 = arith.constant 0 : i32
      %dma_wait3A_102 = arith.constant 0 : i32
      %dma_wait3A_103 = tpu.memref_slice %arg20[%dma_wait3A_101, %dma_wait3A_102] : memref<10240x16xf32, #tpu.memory_space<vmem_shared>> -> memref<10240x16xf32, #tpu.memory_space<vmem_shared>>
      tpu.wait_indirect_dma semaphore(%arg18 : memref<!tpu.dma_semaphore, #tpu.memory_space<semaphore_mem>>) src(%arg13 : memref<80x16xf32, #tpu.memory_space<vmem>>) dst(%dma_wait3A_103 : memref<10240x16xf32, #tpu.memory_space<vmem_shared>>)
      %add3A_104 = arith.constant 2 : i32
      %add3A_105 = arith.addi %add3A_79, %add3A_104 : i32
      %lt3A = arith.constant 125 : i32
      %lt3A_106 = arith.cmpi slt, %add3A_105, %lt3A : i32
      %convert_element_type3A = arith.extui %lt3A_106 : i1 to i32
      %cond3A = arith.constant 0 : i32
      %cond3A_107 = arith.cmpi ne, %convert_element_type3A, %cond3A : i32
      scf.if %cond3A_107 {
        %add3A_131 = arith.constant 2 : i32
        %add3A_132 = arith.addi %add3A_79, %add3A_131 : i32
        %mul3A_133 = arith.constant 80 : i32
        %mul3A_134 = arith.muli %add3A_132, %mul3A_133 : i32
        %add3A_135 = arith.addi %mul3A_2, %mul3A_134 : i32
        %dma_start3A_136 = tpu.memref_slice %arg3[%add3A_135] : memref<320000xi32, #tpu.memory_space<hbm>> -> memref<80xi32, #tpu.memory_space<hbm>>
        %dma_start3A_137 = tpu.memref_slice %arg3[%add3A_135] : memref<320000xi32, #tpu.memory_space<hbm>> -> memref<80xi32, #tpu.memory_space<hbm>>
        tpu.enqueue_dma source(%dma_start3A_137 : memref<80xi32, #tpu.memory_space<hbm>>) target(%arg7 : memref<80xi32, #tpu.memory_space<vmem>>) target_semaphore(%arg16 : memref<!tpu.dma_semaphore, #tpu.memory_space<semaphore_mem>>)
        %mul3A_138 = arith.constant 80 : i32
        %mul3A_139 = arith.muli %add3A_132, %mul3A_138 : i32
        %add3A_140 = arith.addi %mul3A_2, %mul3A_139 : i32
        %dma_start3A_141 = tpu.memref_slice %arg4[%add3A_140] : memref<320000xi32, #tpu.memory_space<hbm>> -> memref<80xi32, #tpu.memory_space<hbm>>
        %dma_start3A_142 = tpu.memref_slice %arg4[%add3A_140] : memref<320000xi32, #tpu.memory_space<hbm>> -> memref<80xi32, #tpu.memory_space<hbm>>
        tpu.enqueue_dma source(%dma_start3A_142 : memref<80xi32, #tpu.memory_space<hbm>>) target(%arg9 : memref<80xi32, #tpu.memory_space<vmem>>) target_semaphore(%arg16 : memref<!tpu.dma_semaphore, #tpu.memory_space<semaphore_mem>>)
      } else {
      }
      %dma_wait3A_108 = arith.constant 0 : i32
      %dma_wait3A_109 = arith.constant 0 : i32
      %dma_wait3A_110 = tpu.memref_slice %arg2[%dma_wait3A_108, %dma_wait3A_109] : memref<10000x128xf32, #tpu.memory_space<hbm>> -> memref<10000x128xf32, #tpu.memory_space<hbm>>
      tpu.wait_indirect_dma semaphore(%arg15 : memref<!tpu.dma_semaphore, #tpu.memory_space<semaphore_mem>>) src(%dma_wait3A_110 : memref<10000x128xf32, #tpu.memory_space<hbm>>) dst(%arg12 : memref<80x128xf32, #tpu.memory_space<vmem>>)
      %add3A_111 = arith.constant 2 : i32
      %add3A_112 = arith.addi %add3A_79, %add3A_111 : i32
      %lt3A_113 = arith.constant 125 : i32
      %lt3A_114 = arith.cmpi slt, %add3A_112, %lt3A_113 : i32
      %convert_element_type3A_115 = arith.extui %lt3A_114 : i1 to i32
      %cond3A_116 = arith.constant 0 : i32
      %cond3A_117 = arith.cmpi ne, %convert_element_type3A_115, %cond3A_116 : i32
      scf.if %cond3A_117 {
        %add3A_131 = arith.constant 2 : i32
        %add3A_132 = arith.addi %add3A_79, %add3A_131 : i32
        %mul3A_133 = arith.constant 80 : i32
        %mul3A_134 = arith.muli %add3A_132, %mul3A_133 : i32
        %add3A_135 = arith.addi %mul3A_2, %mul3A_134 : i32
        %dma_wait3A_136 = tpu.memref_slice %arg3[%add3A_135] : memref<320000xi32, #tpu.memory_space<hbm>> -> memref<80xi32, #tpu.memory_space<hbm>>
        %dma_wait3A_137 = tpu.memref_slice %arg3[%add3A_135] : memref<320000xi32, #tpu.memory_space<hbm>> -> memref<80xi32, #tpu.memory_space<hbm>>
        tpu.wait_dma2 semaphore(%arg16 : memref<!tpu.dma_semaphore, #tpu.memory_space<semaphore_mem>>) src(%dma_wait3A_137 : memref<80xi32, #tpu.memory_space<hbm>>) dst(%arg7 : memref<80xi32, #tpu.memory_space<vmem>>)
        %mul3A_138 = arith.constant 80 : i32
        %mul3A_139 = arith.muli %add3A_132, %mul3A_138 : i32
        %add3A_140 = arith.addi %mul3A_2, %mul3A_139 : i32
        %dma_wait3A_141 = tpu.memref_slice %arg4[%add3A_140] : memref<320000xi32, #tpu.memory_space<hbm>> -> memref<80xi32, #tpu.memory_space<hbm>>
        %dma_wait3A_142 = tpu.memref_slice %arg4[%add3A_140] : memref<320000xi32, #tpu.memory_space<hbm>> -> memref<80xi32, #tpu.memory_space<hbm>>
        tpu.wait_dma2 semaphore(%arg16 : memref<!tpu.dma_semaphore, #tpu.memory_space<semaphore_mem>>) src(%dma_wait3A_142 : memref<80xi32, #tpu.memory_space<hbm>>) dst(%arg9 : memref<80xi32, #tpu.memory_space<vmem>>)
        %dma_start3A_143 = arith.constant 0 : i32
        %dma_start3A_144 = arith.constant 0 : i32
        %dma_start3A_145 = tpu.memref_slice %arg2[%dma_start3A_143, %dma_start3A_144] : memref<10000x128xf32, #tpu.memory_space<hbm>> -> memref<10000x128xf32, #tpu.memory_space<hbm>>
        tpu.enqueue_indirect_dma source(%dma_start3A_145 : memref<10000x128xf32, #tpu.memory_space<hbm>>) target(%arg11 : memref<80x128xf32, #tpu.memory_space<vmem>>) offsets(%arg7 : memref<80xi32, #tpu.memory_space<vmem>>) semaphore(%arg14 : memref<!tpu.dma_semaphore, #tpu.memory_space<semaphore_mem>>)
      } else {
      }
      %dma_start3A_118 = arith.constant 0 : i32
      %dma_start3A_119 = arith.constant 0 : i32
      %dma_start3A_120 = tpu.memref_slice %arg20[%dma_start3A_118, %dma_start3A_119] : memref<10240x16xf32, #tpu.memory_space<vmem_shared>> -> memref<10240x16xf32, #tpu.memory_space<vmem_shared>>
      tpu.enqueue_indirect_dma source(%arg13 : memref<80x16xf32, #tpu.memory_space<vmem>>) target(%dma_start3A_120 : memref<10240x16xf32, #tpu.memory_space<vmem_shared>>) offsets(%arg10 : memref<80xi32, #tpu.memory_space<vmem>>) semaphore(%arg18 : memref<!tpu.dma_semaphore, #tpu.memory_space<semaphore_mem>>) {add = true}
      "tpu.region"() ({
        %run_scoped3A = tpu.sem_alloc : memref<!tpu.dma_semaphore, #tpu.memory_space<semaphore_mem>>
        %dma_start3A_131 = arith.constant 0 : i32
        %dma_start3A_132 = arith.constant 0 : i32
        %dma_start3A_133 = tpu.memref_slice %arg19[%dma_start3A_131, %dma_start3A_132] : memref<10240x128xf32, #tpu.memory_space<vmem_shared>> -> memref<10240x128xf32, #tpu.memory_space<vmem_shared>>
        tpu.enqueue_indirect_dma source(%arg12 : memref<80x128xf32, #tpu.memory_space<vmem>>) target(%dma_start3A_133 : memref<10240x128xf32, #tpu.memory_space<vmem_shared>>) offsets(%arg10 : memref<80xi32, #tpu.memory_space<vmem>>) semaphore(%run_scoped3A : memref<!tpu.dma_semaphore, #tpu.memory_space<semaphore_mem>>) {add = true}
        %dma_wait3A_134 = arith.constant 0 : i32
        %dma_wait3A_135 = arith.constant 0 : i32
        %dma_wait3A_136 = tpu.memref_slice %arg19[%dma_wait3A_134, %dma_wait3A_135] : memref<10240x128xf32, #tpu.memory_space<vmem_shared>> -> memref<10240x128xf32, #tpu.memory_space<vmem_shared>>
        tpu.wait_indirect_dma semaphore(%run_scoped3A : memref<!tpu.dma_semaphore, #tpu.memory_space<semaphore_mem>>) src(%arg12 : memref<80x128xf32, #tpu.memory_space<vmem>>) dst(%dma_wait3A_136 : memref<10240x128xf32, #tpu.memory_space<vmem_shared>>)
        tpu.yield
      }) : () -> ()
      %dma_wait3A_121 = arith.constant 0 : i32
      %dma_wait3A_122 = arith.constant 0 : i32
      %dma_wait3A_123 = tpu.memref_slice %arg20[%dma_wait3A_121, %dma_wait3A_122] : memref<10240x16xf32, #tpu.memory_space<vmem_shared>> -> memref<10240x16xf32, #tpu.memory_space<vmem_shared>>
      tpu.wait_indirect_dma semaphore(%arg18 : memref<!tpu.dma_semaphore, #tpu.memory_space<semaphore_mem>>) src(%arg13 : memref<80x16xf32, #tpu.memory_space<vmem>>) dst(%dma_wait3A_123 : memref<10240x16xf32, #tpu.memory_space<vmem_shared>>)
      %add3A_124 = arith.constant 3 : i32
      %add3A_125 = arith.addi %add3A_79, %add3A_124 : i32
      %lt3A_126 = arith.constant 125 : i32
      %lt3A_127 = arith.cmpi slt, %add3A_125, %lt3A_126 : i32
      %convert_element_type3A_128 = arith.extui %lt3A_127 : i1 to i32
      %cond3A_129 = arith.constant 0 : i32
      %cond3A_130 = arith.cmpi ne, %convert_element_type3A_128, %cond3A_129 : i32
      scf.if %cond3A_130 {
        %add3A_131 = arith.constant 3 : i32
        %add3A_132 = arith.addi %add3A_79, %add3A_131 : i32
        %mul3A_133 = arith.constant 80 : i32
        %mul3A_134 = arith.muli %add3A_132, %mul3A_133 : i32
        %add3A_135 = arith.addi %mul3A_2, %mul3A_134 : i32
        %dma_start3A_136 = tpu.memref_slice %arg3[%add3A_135] : memref<320000xi32, #tpu.memory_space<hbm>> -> memref<80xi32, #tpu.memory_space<hbm>>
        %dma_start3A_137 = tpu.memref_slice %arg3[%add3A_135] : memref<320000xi32, #tpu.memory_space<hbm>> -> memref<80xi32, #tpu.memory_space<hbm>>
        tpu.enqueue_dma source(%dma_start3A_137 : memref<80xi32, #tpu.memory_space<hbm>>) target(%arg8 : memref<80xi32, #tpu.memory_space<vmem>>) target_semaphore(%arg17 : memref<!tpu.dma_semaphore, #tpu.memory_space<semaphore_mem>>)
        %mul3A_138 = arith.constant 80 : i32
        %mul3A_139 = arith.muli %add3A_132, %mul3A_138 : i32
        %add3A_140 = arith.addi %mul3A_2, %mul3A_139 : i32
        %dma_start3A_141 = tpu.memref_slice %arg4[%add3A_140] : memref<320000xi32, #tpu.memory_space<hbm>> -> memref<80xi32, #tpu.memory_space<hbm>>
        %dma_start3A_142 = tpu.memref_slice %arg4[%add3A_140] : memref<320000xi32, #tpu.memory_space<hbm>> -> memref<80xi32, #tpu.memory_space<hbm>>
        tpu.enqueue_dma source(%dma_start3A_142 : memref<80xi32, #tpu.memory_space<hbm>>) target(%arg10 : memref<80xi32, #tpu.memory_space<vmem>>) target_semaphore(%arg17 : memref<!tpu.dma_semaphore, #tpu.memory_space<semaphore_mem>>)
      } else {
      }
    }
    %scan3A_56 = arith.constant 62 : i32
    %dma_wait3A_57 = arith.constant 0 : i32
    %dma_wait3A_58 = arith.constant 0 : i32
    %dma_wait3A_59 = tpu.memref_slice %arg2[%dma_wait3A_57, %dma_wait3A_58] : memref<10000x128xf32, #tpu.memory_space<hbm>> -> memref<10000x128xf32, #tpu.memory_space<hbm>>
    tpu.wait_indirect_dma semaphore(%arg14 : memref<!tpu.dma_semaphore, #tpu.memory_space<semaphore_mem>>) src(%dma_wait3A_59 : memref<10000x128xf32, #tpu.memory_space<hbm>>) dst(%arg11 : memref<80x128xf32, #tpu.memory_space<vmem>>)
    %dma_start3A_60 = arith.constant 0 : i32
    %dma_start3A_61 = arith.constant 0 : i32
    %dma_start3A_62 = tpu.memref_slice %arg20[%dma_start3A_60, %dma_start3A_61] : memref<10240x16xf32, #tpu.memory_space<vmem_shared>> -> memref<10240x16xf32, #tpu.memory_space<vmem_shared>>
    tpu.enqueue_indirect_dma source(%arg13 : memref<80x16xf32, #tpu.memory_space<vmem>>) target(%dma_start3A_62 : memref<10240x16xf32, #tpu.memory_space<vmem_shared>>) offsets(%arg9 : memref<80xi32, #tpu.memory_space<vmem>>) semaphore(%arg18 : memref<!tpu.dma_semaphore, #tpu.memory_space<semaphore_mem>>) {add = true}
    "tpu.region"() ({
      %run_scoped3A = tpu.sem_alloc : memref<!tpu.dma_semaphore, #tpu.memory_space<semaphore_mem>>
      %dma_start3A_75 = arith.constant 0 : i32
      %dma_start3A_76 = arith.constant 0 : i32
      %dma_start3A_77 = tpu.memref_slice %arg19[%dma_start3A_75, %dma_start3A_76] : memref<10240x128xf32, #tpu.memory_space<vmem_shared>> -> memref<10240x128xf32, #tpu.memory_space<vmem_shared>>
      tpu.enqueue_indirect_dma source(%arg11 : memref<80x128xf32, #tpu.memory_space<vmem>>) target(%dma_start3A_77 : memref<10240x128xf32, #tpu.memory_space<vmem_shared>>) offsets(%arg9 : memref<80xi32, #tpu.memory_space<vmem>>) semaphore(%run_scoped3A : memref<!tpu.dma_semaphore, #tpu.memory_space<semaphore_mem>>) {add = true}
      %dma_wait3A_78 = arith.constant 0 : i32
      %dma_wait3A_79 = arith.constant 0 : i32
      %dma_wait3A_80 = tpu.memref_slice %arg19[%dma_wait3A_78, %dma_wait3A_79] : memref<10240x128xf32, #tpu.memory_space<vmem_shared>> -> memref<10240x128xf32, #tpu.memory_space<vmem_shared>>
      tpu.wait_indirect_dma semaphore(%run_scoped3A : memref<!tpu.dma_semaphore, #tpu.memory_space<semaphore_mem>>) src(%arg11 : memref<80x128xf32, #tpu.memory_space<vmem>>) dst(%dma_wait3A_80 : memref<10240x128xf32, #tpu.memory_space<vmem_shared>>)
      tpu.yield
    }) : () -> ()
    %dma_wait3A_63 = arith.constant 0 : i32
    %dma_wait3A_64 = arith.constant 0 : i32
    %dma_wait3A_65 = tpu.memref_slice %arg20[%dma_wait3A_63, %dma_wait3A_64] : memref<10240x16xf32, #tpu.memory_space<vmem_shared>> -> memref<10240x16xf32, #tpu.memory_space<vmem_shared>>
    tpu.wait_indirect_dma semaphore(%arg18 : memref<!tpu.dma_semaphore, #tpu.memory_space<semaphore_mem>>) src(%arg13 : memref<80x16xf32, #tpu.memory_space<vmem>>) dst(%dma_wait3A_65 : memref<10240x16xf32, #tpu.memory_space<vmem_shared>>)
    %barrier3A_66 = arith.constant 0 : index
    tpu.barrier barrier_id(%barrier3A_66)
    %mul3A_67 = arith.constant 640 : i32
    %mul3A_68 = arith.muli %arg1, %mul3A_67 : i32
    %mul3A_69 = arith.constant 640 : i32
    %mul3A_70 = arith.muli %arg1, %mul3A_69 : i32
    "tpu.region"() ({
      %run_scoped3A = tpu.sem_alloc : memref<!tpu.dma_semaphore, #tpu.memory_space<semaphore_mem>>
      %dma_start3A_75 = arith.constant 0 : i32
      %dma_start3A_76 = tpu.memref_slice %arg5[%arg0, %mul3A_70, %dma_start3A_75] : memref<2x10240x128xf32, #tpu.memory_space<hbm>> -> memref<1x640x128xf32, #tpu.memory_space<hbm>>
      %dma_start3A_77 = tpu.memref_squeeze %dma_start3A_76 : memref<1x640x128xf32, #tpu.memory_space<hbm>> -> memref<640x128xf32, #tpu.memory_space<hbm>>
      %dma_start3A_78 = arith.constant 0 : i32
      %dma_start3A_79 = tpu.memref_slice %arg19[%mul3A_68, %dma_start3A_78] : memref<10240x128xf32, #tpu.memory_space<vmem_shared>> -> memref<640x128xf32, #tpu.memory_space<vmem_shared>>
      tpu.enqueue_dma source(%dma_start3A_79 : memref<640x128xf32, #tpu.memory_space<vmem_shared>>) target(%dma_start3A_77 : memref<640x128xf32, #tpu.memory_space<hbm>>) target_semaphore(%run_scoped3A : memref<!tpu.dma_semaphore, #tpu.memory_space<semaphore_mem>>)
      %dma_wait3A_80 = arith.constant 0 : i32
      %dma_wait3A_81 = tpu.memref_slice %arg5[%arg0, %mul3A_70, %dma_wait3A_80] : memref<2x10240x128xf32, #tpu.memory_space<hbm>> -> memref<1x640x128xf32, #tpu.memory_space<hbm>>
      %dma_wait3A_82 = tpu.memref_squeeze %dma_wait3A_81 : memref<1x640x128xf32, #tpu.memory_space<hbm>> -> memref<640x128xf32, #tpu.memory_space<hbm>>
      %dma_wait3A_83 = arith.constant 0 : i32
      %dma_wait3A_84 = tpu.memref_slice %arg19[%mul3A_68, %dma_wait3A_83] : memref<10240x128xf32, #tpu.memory_space<vmem_shared>> -> memref<640x128xf32, #tpu.memory_space<vmem_shared>>
      tpu.wait_dma2 semaphore(%run_scoped3A : memref<!tpu.dma_semaphore, #tpu.memory_space<semaphore_mem>>) src(%dma_wait3A_84 : memref<640x128xf32, #tpu.memory_space<vmem_shared>>) dst(%dma_wait3A_82 : memref<640x128xf32, #tpu.memory_space<hbm>>)
      tpu.yield
    }) : () -> ()
    %mul3A_71 = arith.constant 640 : i32
    %mul3A_72 = arith.muli %arg1, %mul3A_71 : i32
    %mul3A_73 = arith.constant 640 : i32
    %mul3A_74 = arith.muli %arg1, %mul3A_73 : i32
    "tpu.region"() ({
      %run_scoped3A = tpu.sem_alloc : memref<!tpu.dma_semaphore, #tpu.memory_space<semaphore_mem>>
      %dma_start3A_75 = arith.constant 0 : i32
      %dma_start3A_76 = tpu.memref_slice %arg6[%arg0, %mul3A_74, %dma_start3A_75] : memref<2x10240x16xf32, #tpu.memory_space<hbm>> -> memref<1x640x16xf32, #tpu.memory_space<hbm>>
      %dma_start3A_77 = tpu.memref_squeeze %dma_start3A_76 : memref<1x640x16xf32, #tpu.memory_space<hbm>> -> memref<640x16xf32, #tpu.memory_space<hbm>>
      %dma_start3A_78 = arith.constant 0 : i32
      %dma_start3A_79 = tpu.memref_slice %arg20[%mul3A_72, %dma_start3A_78] : memref<10240x16xf32, #tpu.memory_space<vmem_shared>> -> memref<640x16xf32, #tpu.memory_space<vmem_shared>>
      tpu.enqueue_dma source(%dma_start3A_79 : memref<640x16xf32, #tpu.memory_space<vmem_shared>>) target(%dma_start3A_77 : memref<640x16xf32, #tpu.memory_space<hbm>>) target_semaphore(%run_scoped3A : memref<!tpu.dma_semaphore, #tpu.memory_space<semaphore_mem>>)
      %dma_wait3A_80 = arith.constant 0 : i32
      %dma_wait3A_81 = tpu.memref_slice %arg6[%arg0, %mul3A_74, %dma_wait3A_80] : memref<2x10240x16xf32, #tpu.memory_space<hbm>> -> memref<1x640x16xf32, #tpu.memory_space<hbm>>
      %dma_wait3A_82 = tpu.memref_squeeze %dma_wait3A_81 : memref<1x640x16xf32, #tpu.memory_space<hbm>> -> memref<640x16xf32, #tpu.memory_space<hbm>>
      %dma_wait3A_83 = arith.constant 0 : i32
      %dma_wait3A_84 = tpu.memref_slice %arg20[%mul3A_72, %dma_wait3A_83] : memref<10240x16xf32, #tpu.memory_space<vmem_shared>> -> memref<640x16xf32, #tpu.memory_space<vmem_shared>>
      tpu.wait_dma2 semaphore(%run_scoped3A : memref<!tpu.dma_semaphore, #tpu.memory_space<semaphore_mem>>) src(%dma_wait3A_84 : memref<640x16xf32, #tpu.memory_space<vmem_shared>>) dst(%dma_wait3A_82 : memref<640x16xf32, #tpu.memory_space<hbm>>)
      tpu.yield
    }) : () -> ()
    return
  }
}

module attributes {stable_mosaic.version = 14 : i64} {
  func.func @body(%arg0: i32, %arg1: memref<2x2000x128xf32, #tpu.memory_space<vmem>>, %arg2: memref<2x2000x16xf32, #tpu.memory_space<vmem>>, %arg3: memref<2000x128xf32, #tpu.memory_space<vmem>>, %arg4: memref<128x128xf32, #tpu.memory_space<vmem>>, %arg5: memref<128x128xf32, #tpu.memory_space<vmem>>, %arg6: memref<1x128xf32, #tpu.memory_space<vmem>>, %arg7: memref<2000x128xf32, #tpu.memory_space<vmem>>) attributes {dimension_semantics = [#tpu.dimension_semantics<arbitrary>], iteration_bounds = array<i64: 5>, scalar_prefetch = 0 : i64, scratch_operands = 0 : i64, tpu.core_type = #tpu.core_type<tc>, window_params = [{transform_indices = @transform_0, window_bounds = array<i64: 2, 2000, 128>}, {transform_indices = @transform_1, window_bounds = array<i64: 2, 2000, 16>}, {transform_indices = @transform_2, window_bounds = array<i64: 2000, 128>}, {pipeline_mode = #tpu.pipeline_mode<synchronous>, transform_indices = @transform_3, window_bounds = array<i64: 128, 128>}, {pipeline_mode = #tpu.pipeline_mode<synchronous>, transform_indices = @transform_4, window_bounds = array<i64: 128, 128>}, {pipeline_mode = #tpu.pipeline_mode<synchronous>, transform_indices = @transform_5, window_bounds = array<i64: 1, 128>}, {transform_indices = @transform_6, window_bounds = array<i64: 2000, 128>}]} {
    %get3A = arith.constant 0 : index
    %get3A_0 = arith.constant 0 : index
    %get3A_1 = arith.constant 0 : index
    %get3A_2 = vector.load %arg1[%get3A, %get3A_0, %get3A_1] : memref<2x2000x128xf32, #tpu.memory_space<vmem>>, vector<1x2000x128xf32>
    %get3A_3 = vector.shape_cast %get3A_2 : vector<1x2000x128xf32> to vector<2000x128xf32>
    %get3A_4 = arith.constant 1 : index
    %get3A_5 = arith.constant 0 : index
    %get3A_6 = arith.constant 0 : index
    %get3A_7 = vector.load %arg1[%get3A_4, %get3A_5, %get3A_6] : memref<2x2000x128xf32, #tpu.memory_space<vmem>>, vector<1x2000x128xf32>
    %get3A_8 = vector.shape_cast %get3A_7 : vector<1x2000x128xf32> to vector<2000x128xf32>
    %add3A = arith.addf %get3A_3, %get3A_8 : vector<2000x128xf32>
    %get3A_9 = arith.constant 0 : index
    %get3A_10 = arith.constant 0 : index
    %get3A_11 = arith.constant 0 : index
    %get3A_12 = vector.load %arg2[%get3A_9, %get3A_10, %get3A_11] : memref<2x2000x16xf32, #tpu.memory_space<vmem>>, vector<1x2000x1xf32>
    %get3A_13 = vector.shape_cast %get3A_12 : vector<1x2000x1xf32> to vector<2000x1xf32>
    %get3A_14 = arith.constant 1 : index
    %get3A_15 = arith.constant 0 : index
    %get3A_16 = arith.constant 0 : index
    %get3A_17 = vector.load %arg2[%get3A_14, %get3A_15, %get3A_16] : memref<2x2000x16xf32, #tpu.memory_space<vmem>>, vector<1x2000x1xf32>
    %get3A_18 = vector.shape_cast %get3A_17 : vector<1x2000x1xf32> to vector<2000x1xf32>
    %add3A_19 = arith.addf %get3A_13, %get3A_18 : vector<2000x1xf32>
    %max3A = arith.constant 1.000000e+00 : f32
    %max3A_20 = vector.broadcast %max3A : f32 to vector<2000x1xf32>
    %max3A_21 = arith.maximumf %add3A_19, %max3A_20 : vector<2000x1xf32>
    %div3A = vector.broadcast %max3A_21 : vector<2000x1xf32> to vector<2000x128xf32>
    %div3A_22 = arith.divf %add3A, %div3A : vector<2000x128xf32>
    %get3A_23 = arith.constant 0 : index
    %get3A_24 = arith.constant 0 : index
    %get3A_25 = vector.load %arg4[%get3A_23, %get3A_24] : memref<128x128xf32, #tpu.memory_space<vmem>>, vector<128x128xf32>
    %dot_general3A = arith.constant dense<0.000000e+00> : vector<2000x128xf32>
    %dot_general3A_26 = tpu.matmul %div3A_22, %get3A_25, %dot_general3A {dimension_numbers = #tpu.dot_dimension_numbers<[1], [0], [0], [1], [0, 0, 1, 1], [], []>, transpose_lhs_hint = false} : vector<2000x128xf32>, vector<128x128xf32>, vector<2000x128xf32> -> vector<2000x128xf32>
    %get3A_27 = arith.constant 0 : index
    %get3A_28 = arith.constant 0 : index
    %get3A_29 = vector.load %arg3[%get3A_27, %get3A_28] : memref<2000x128xf32, #tpu.memory_space<vmem>>, vector<2000x128xf32>
    %get3A_30 = arith.constant 0 : index
    %get3A_31 = arith.constant 0 : index
    %get3A_32 = vector.load %arg5[%get3A_30, %get3A_31] : memref<128x128xf32, #tpu.memory_space<vmem>>, vector<128x128xf32>
    %dot_general3A_33 = arith.constant dense<0.000000e+00> : vector<2000x128xf32>
    %dot_general3A_34 = tpu.matmul %get3A_29, %get3A_32, %dot_general3A_33 {dimension_numbers = #tpu.dot_dimension_numbers<[1], [0], [0], [1], [0, 0, 1, 1], [], []>, transpose_lhs_hint = false} : vector<2000x128xf32>, vector<128x128xf32>, vector<2000x128xf32> -> vector<2000x128xf32>
    %add3A_35 = arith.addf %dot_general3A_26, %dot_general3A_34 : vector<2000x128xf32>
    %get3A_36 = arith.constant 0 : index
    %get3A_37 = arith.constant 0 : index
    %get3A_38 = vector.load %arg6[%get3A_36, %get3A_37] : memref<1x128xf32, #tpu.memory_space<vmem>>, vector<1x128xf32>
    %add3A_39 = vector.broadcast %get3A_38 : vector<1x128xf32> to vector<2000x128xf32>
    %add3A_40 = arith.addf %add3A_35, %add3A_39 : vector<2000x128xf32>
    %swap3A = arith.constant 0 : index
    %swap3A_41 = arith.constant 0 : index
    %swap3A_42 = vector.load %arg7[%swap3A, %swap3A_41] : memref<2000x128xf32, #tpu.memory_space<vmem>>, vector<2000x128xf32>
    tpu.vector_store %arg7[%swap3A, %swap3A_41], %add3A_40 {strides = array<i32>} : memref<2000x128xf32, #tpu.memory_space<vmem>>, vector<2000x128xf32>,
    return
  }
  func.func @transform_0(%arg0: i32) -> (i32, i32, i32) {
    %c0_i32 = arith.constant 0 : i32
    %c0_i32_0 = arith.constant 0 : i32
    %c0_i32_1 = arith.constant 0 : i32
    return %c0_i32, %arg0, %c0_i32_0 : i32, i32, i32
  }
  func.func @transform_1(%arg0: i32) -> (i32, i32, i32) {
    %c0_i32 = arith.constant 0 : i32
    %c0_i32_0 = arith.constant 0 : i32
    %c0_i32_1 = arith.constant 0 : i32
    return %c0_i32, %arg0, %c0_i32_0 : i32, i32, i32
  }
  func.func @transform_2(%arg0: i32) -> (i32, i32) {
    %c0_i32 = arith.constant 0 : i32
    %c0_i32_0 = arith.constant 0 : i32
    return %arg0, %c0_i32 : i32, i32
  }
  func.func @transform_3(%arg0: i32) -> (i32, i32) {
    %c0_i32 = arith.constant 0 : i32
    %c0_i32_0 = arith.constant 0 : i32
    %c0_i32_1 = arith.constant 0 : i32
    return %c0_i32, %c0_i32_0 : i32, i32
  }
  func.func @transform_4(%arg0: i32) -> (i32, i32) {
    %c0_i32 = arith.constant 0 : i32
    %c0_i32_0 = arith.constant 0 : i32
    %c0_i32_1 = arith.constant 0 : i32
    return %c0_i32, %c0_i32_0 : i32, i32
  }
  func.func @transform_5(%arg0: i32) -> (i32, i32) {
    %c0_i32 = arith.constant 0 : i32
    %c0_i32_0 = arith.constant 0 : i32
    %c0_i32_1 = arith.constant 0 : i32
    return %c0_i32, %c0_i32_0 : i32, i32
  }
  func.func @transform_6(%arg0: i32) -> (i32, i32) {
    %c0_i32 = arith.constant 0 : i32
    %c0_i32_0 = arith.constant 0 : i32
    return %arg0, %c0_i32 : i32, i32
  }
}

</mosaic_0001>

<sc_bundles>
// kernel: kernel.4.cloned.1.call-start
scs
__scs_entry_jumppad:
0x0: {  	(pc) =	sbr.rel $0x88, $3  }
0x1: {  	(tag) =	ssettag $0x0;
	lr =	simm.s32 $0x1  }
0x2: {  	[smem:$0x3F9C] =	sst lr;
	_ =	strace $0xD0000000  }
0x3: {  	_ = 	snop  }
0x4: {  	_ = 	snop  }
0x5: {  	_ = 	snop  }
0x6: {  	_ = 	snop  }
0x7: {  	_ = 	snop  }
__scs_overlays_trampoline_lowered:
0x8: {  	[smem:$0x3FAB] =	sst s0  }
0x9: {  	[smem:$0x3FAC] =	sst s1  }
0xa: {  	[smem:$0x3FAD] =	sst s2  }
0xb: {  	[smem:$0x3FAE] =	sst s3  }
0xc: {  	[smem:$0x3FAF] =	sst s4  }
0xd: {  	[smem:$0x3FB0] =	sst s5  }
0xe: {  	[smem:$0x3FB1] =	sst s6  }
0xf: {  	[smem:$0x3FB2] =	sst s7  }
0x10: {  	[smem:$0x3FB3] =	sst s8  }
0x11: {  	[smem:$0x3FB4] =	sst s9;
	s0 =	simm.s32 @!p0 $0x0  }
0x12: {  	s1 =	sld [smem:$0x3F9A];
	s0 =	simm.s32 @p0 $0x1  }
0x13: {  	[smem:$0x3FB5] =	sst s0;
	s0 =	simm.s32 @!p1 $0x0  }
0x14: {  	s2 =	sld [smem:$0x3F99];
	s0 =	simm.s32 @p1 $0x1  }
0x15: {  	[smem:$0x3FB6] =	sst s0;
	s0 =	simm.s32 @!p2 $0x0  }
0x16: {  	s3 =	sld [smem:$0x3FDB];
	s0 =	simm.s32 @p2 $0x1  }
0x17: {  	s4 =	simm.s32 $0x1BF5;
	[smem:$0x3FB8] =	sst s0  }
0x18: {  	s0 =	sld [smem:$0x3F9B];
	_ =	swait.ge [sflag:s4], $0x0  }
0x19: {  	s7 =	sld [smem:$0x3F9C]  }
0x1a: {  	s8 =	sadd.s32 $0xFFFFE003, lr  }
0x1b: {  	s9 =	sadd.s32 $0xFFFFFEF7, lr;
	s5 =	simm.s32 $0xFFFFFFFF;
	p2 =	slt.u32 s8, $0xFFFFF086  }
0x1c: {  	p1 =	slt.u32 s9, $0xF7A;
	s5 =	simm.s32 @!p2 $0x0  }
0x1d: {  	s5 =	simm.s32 @p1 $0x1;
	p0 =	seq.s32 s7, s2  }
0x1e: {  	s7 =	smul.u32 @!p0 $0xF7A, s2;
	p2 =	seq.s32 @!p0 s5, $0x0  }
0x1f: {  	s9 =	smul.u32 $0xF7A, s1;
	s8 =	simm.s32 @!p0 $0x1BF5;
	p2 =	por !p2, p0  }
0x20: {  	[sflag:s8] =	ssyncset.s32 @!p0 $0xFFFFF086;
	s6 =	sadd.s32 @!p0 s3, s7;
	s7 =	simm.s32 @!p0 $0x108  }
0x21: {  	s3 =	sadd.s32 s3, s9;
	s6 =	sadd.s32 @!p0 $0x88, s6;
	s7 =	simm.s32 @p2 $0x1082  }
0x22: {  	[simem:s7], [sflag:s8] =	dma.local @!p0 [hbm:s6], $0xF7A  }
0x23: {  	s9 =	sor.u32 $0xD0000000, s2;
	s6 =	simm.s32 $0x108;
	_ =	swait.ge @!p0 [sflag:s8], $0x0  }
0x24: {  	s3 =	sadd.s32 $0x88, s3;
	s6 =	simm.s32 @!p1 $0x1082;
	[sflag:s4] =	ssyncset.s32 $0xFFFFF086  }
0x25: {  	[simem:s6], [sflag:s4] =	dma.local [hbm:s3], $0xF7A  }
0x26: {  	[smem:$0x3F9C] =	sst s1;
	(tag) =	ssettag s2;
	_ =	strace s9  }
0x27: {  	s1 =	sld [smem:$0x3FAC]  }
0x28: {  	s2 =	sld [smem:$0x3FAD]  }
0x29: {  	s4 =	sld [smem:$0x3FAF]  }
0x2a: {  	p0 =	seq.s32 s5, $0x0;
	s5 =	sld [smem:$0x3FB0]  }
0x2b: {  	s6 =	sld [smem:$0x3FB1]  }
0x2c: {  	s7 =	sld [smem:$0x3FB2]  }
0x2d: {  	s3 =	simm.s32 $0x108;
	s8 =	sld [smem:$0x3FB3]  }
0x2e: {  	s3 =	simm.s32 @!p0 $0x1082;
	s9 =	sld [smem:$0x3FB4]  }
0x2f: {  	lr =	sadd.s32 s0, s3;
	s0 =	sld [smem:$0x3FAB]  }
0x30: {  	s3 =	sld [smem:$0x3FAE]  }
0x31: {  	[smem:$0x3FB7] =	sst s10  }
0x32: {  	s10 =	sld [smem:$0x3FB5];
	_ =	sdelay $0x3  }
0x33: {  	p0 =	seq.s32 s10, $0x1;
	s10 =	sld [smem:$0x3FB7];
	_ =	sdelay $0x3  }
0x34: {  	[smem:$0x3FB7] =	sst s10  }
0x35: {  	s10 =	sld [smem:$0x3FB6];
	_ =	sdelay $0x3  }
0x36: {  	p1 =	seq.s32 s10, $0x1;
	s10 =	sld [smem:$0x3FB7];
	_ =	sdelay $0x3  }
0x37: {  	[smem:$0x3FB7] =	sst s10  }
0x38: {  	s10 =	sld [smem:$0x3FB8]  }
0x39: {  	_ = 	snop;
	(pc) =	sbr.ind lr, $3  }
0x3a: {  	_ = 	snop  }
0x3b: {  	_ = 	snop  }
0x3c: {  	p2 =	seq.s32 s10, $0x1;
	s10 =	sld [smem:$0x3FB7]  }
0x3d: {  	_ =	shalt  }
0x3e: {  	_ =	shalt  }
0x3f: {  	_ =	shalt  }
0x40: {  	_ =	shalt  }
0x41: {  	_ =	shalt  }
0x42: {  	_ =	shalt  }
0x43: {  	_ =	shalt  }
0x44: {  	_ =	shalt  }
0x45: {  	_ =	shalt  }
0x46: {  	_ =	shalt  }
0x47: {  	_ =	shalt  }
0x48: {  	_ =	shalt  }
0x49: {  	_ =	shalt  }
0x4a: {  	_ =	shalt  }
0x4b: {  	_ =	shalt  }
0x4c: {  	_ =	shalt  }
0x4d: {  	_ =	shalt  }
0x4e: {  	_ =	shalt  }
0x4f: {  	_ =	shalt  }
0x50: {  	_ =	shalt  }
0x51: {  	_ =	shalt  }
0x52: {  	_ =	shalt  }
0x53: {  	_ =	shalt  }
0x54: {  	_ =	shalt  }
0x55: {  	_ =	shalt  }
0x56: {  	_ =	shalt  }
0x57: {  	_ =	shalt  }
0x58: {  	_ =	shalt  }
0x59: {  	_ =	shalt  }
0x5a: {  	_ =	shalt  }
0x5b: {  	_ =	shalt  }
0x5c: {  	_ =	shalt  }
0x5d: {  	_ =	shalt  }
0x5e: {  	_ =	shalt  }
0x5f: {  	_ =	shalt  }
0x60: {  	_ =	shalt  }
0x61: {  	_ =	shalt  }
0x62: {  	_ =	shalt  }
0x63: {  	_ =	shalt  }
0x64: {  	_ =	shalt  }
0x65: {  	_ =	shalt  }
0x66: {  	_ =	shalt  }
0x67: {  	_ =	shalt  }
0x68: {  	_ =	shalt  }
0x69: {  	_ =	shalt  }
0x6a: {  	_ =	shalt  }
0x6b: {  	_ =	shalt  }
0x6c: {  	_ =	shalt  }
0x6d: {  	_ =	shalt  }
0x6e: {  	_ =	shalt  }
0x6f: {  	_ =	shalt  }
0x70: {  	_ =	shalt  }
0x71: {  	_ =	shalt  }
0x72: {  	_ =	shalt  }
0x73: {  	_ =	shalt  }
0x74: {  	_ =	shalt  }
0x75: {  	_ =	shalt  }
0x76: {  	_ =	shalt  }
0x77: {  	_ =	shalt  }
0x78: {  	_ =	shalt  }
0x79: {  	_ =	shalt  }
0x7a: {  	_ =	shalt  }
0x7b: {  	_ =	shalt  }
0x7c: {  	_ =	shalt  }
0x7d: {  	_ =	shalt  }
0x7e: {  	_ =	shalt  }
0x7f: {  	_ =	shalt  }
0x80: {  	_ =	shalt  }
0x81: {  	_ =	shalt  }
0x82: {  	_ =	shalt  }
0x83: {  	_ =	shalt  }
0x84: {  	_ =	shalt  }
0x85: {  	_ =	shalt  }
0x86: {  	_ =	shalt  }
0x87: {  	_ =	shalt  }
.Lfunc_end0:
.L_simem_size_0:
called_computation_lowered:
.L_overlay_start_0:
0x88: {  	s2 =	sld [smem:$0x3FD9]  }
0x89: {  	s3 =	sld [smem:$0x3FFE];
	_ =	sdelay $0x1  }
0x8a: {  	s1 =	srdreg.scid  }
0x8b: {  	s0 =	sand.u32 $0x1, s1  }
0x8c: {  	s17 =	sshll.u32 s0, $0xA;
	s2 =	sadd.s32 s3, s2  }
0x8d: {  	s2 =	sadd.s32 s2, s17  }
0x8e: {  	[smem:$0x3FC3] =	sst s2  }
0x8f: {  	_ = 	snop  }
0x90: {  	s2 =	sld [smem:$0x3FC9]  }
0x91: {  	s18 =	sld [smem:$0x3FD0];
	(tm) =	ssettm $0x1  }
0x92: {  	s4 =	sld [smem:$0x3FFB];
	_ =	sdelay $0x3  }
0x93: {  	_ =	strace s4  }
0x94: {  	s4 =	sld [smem:$0x3FFC];
	_ =	sdelay $0x3  }
0x95: {  	_ =	strace s4  }
0x96: {  	s4 =	sld [smem:$0x3FFD];
	_ =	sdelay $0x3  }
0x97: {  	_ =	strace s4  }
0x98: {  	_ =	strace $0x8FFFFFFF  }
0x99: {  	s19 =	sld [smem:$0x3FDB];
	_ =	sdelay $0x1  }
0x9a: {  	s5 =	simm.s32 $_scs_section_size  }
0x9b: {  	s6 =	simm.s32 $_size__tile_overlayer_lowered;
	s7 =	simm.s32 $_tile_overlayer_lowered  }
0x9c: {  	s22 =	simm.s32 $0x1BFF;
	s21 =	sshll.u32 s7, $0x1;
	s4 =	sadd.s32 s5, s19  }
0x9d: {  	s8 =	simm.s32 $0x0;
	s20 =	sshll.u32 s6, $0x1;
	s6 =	sadd.s32 s21, s4  }
0x9e: {  	[timem:s8], [sflag:s22] =	dma.local [hbm:s6], s20  }
0x9f: {  	_ =	swait.ge [sflag:s22], s20  }
0xa0: {  	s5 =	ssub.s32 $0x0, s20;
	[sflag:s22] =	ssyncset.done $0x0  }
0xa1: {  	[sflag:s22] =	ssyncadd.s32 s5;
	_ =	sdelay $0x1  }
0xa2: {  	s23 =	simm.s32 $0x1B8B  }
0xa3: {  	_ =	swait.ge [sflag:s23], $0x1  }
0xa4: {  	[sflag:s23] =	ssyncset.done $0x0  }
0xa5: {  	s25 =	simm.s32 $0x1B8E;
	s24 =	sld [smem:$0x3FFE];
	[sflag:s23] =	ssyncadd.s32 $0xFFFFFFFF  }
0xa6: {  	s26 =	simm.s32 $execute0_lowered;
	[smem:$0x3FD2] =	sst s25  }
0xa7: {  	s6 =	sshll.u32 s26, $0x1;
	_ =	strace $0x80000046;
	[dreg:$0x1] =	wrdreg $0xFFFFFFFF  }
0xa8: {  	s28 =	simm.s32 $_size_execute0_lowered;
	s4 =	sadd.s32 s4, s6;
	[dreg:$0x0] =	wrdreg $0x0  }
0xa9: {  	s6 =	sshll.u32 s28, $0x1;
	[dreg:$0x2] =	wrdreg s4  }
0xaa: {  	[dreg:$0x3] =	wrdreg s6  }
0xab: {  	[dreg:$0x4] =	wrdreg $0xC0  }
0xac: {  	_ =	task [dreg:s8], $0x5FFFF  }
0xad: {  	[dreg:$0x1] =	wrdreg $0xFFFFFFFF  }
0xae: {  	[dreg:$0x0] =	wrdreg $0x60  }
0xaf: {  	[dreg:$0x2] =	wrdreg s2  }
0xb0: {  	[dreg:$0x3] =	wrdreg s24  }
0xb1: {  	[dreg:$0x4] =	wrdreg s18  }
0xb2: {  	[dreg:$0x5] =	wrdreg $0x56400  }
0xb3: {  	[dreg:$0x6] =	wrdreg $0x196400  }
0xb4: {  	[dreg:$0x7] =	wrdreg $0x9  }
0xb5: {  	_ =	task.clear_ibuf [dreg:s8], $0x8FFFF;
	_ =	strace $0x90000046  }
0xb6: {  	s29 =	simm.s32 $0x9;
	_ =	strace $0x80000048  }
0xb7: {  	_ =	swait.ge [sflag:s29], $0x1  }
0xb8: {  	[sflag:s29] =	ssyncadd.s32 $0xFFFFFFFF  }
0xb9: {  	_ =	strace $0x90000048  }
0xba: {  	_ =	sfence  }
0xbb: {  	s30 =	sld [smem:$0x0];
	_ =	sdelay $0x2  }
0xbc: {  	s31 =	sshll.u32 s1, $0xD;
	s1 =	sshrl.u32 s1, $0x2  }
0xbd: {  	s3 =	sand.u32 $0x4000, s31;
	s1 =	sadd.s32 s1, s30  }
0xbe: {  	s0 =	sor.u32 s3, s0;
	s1 =	sshll.u32 s1, $0x11  }
0xbf: {  	s0 =	sor.u32 s1, s0  }
0xc0: {  	s0 =	sadd.s32 $0x8F2B, s0  }
0xc1: {  	[sflag:s0] =	ssyncadd.remote.s32 $0x1  }
0xc2: {  	_ =	sfence.sel $0xFFFF  }
0xc3: {  	[dreg:$0x0] =	wrdreg $0xFFFFFFFF;
	(pc) =	sbr.abs _section_cstart, $3  }
0xc4: {  	[dreg:$0x1] =	wrdreg $0xFFFFFFFF  }
0xc5: {  	_ =	task.clear_ibuf [dreg:s8], $0x2FFFF;
	_ =	strace $0x9FFFFFFF  }
0xc6: {  	(tm) =	ssettm $0x7FFFFFFF  }
0xc7: {  	_ =	shalt  }
tec
execute0_lowered:
.L_overlay_start_1:
0x0: {  	(tag) =	ssettag $0x1  }
0x1: {  	s1 =	rddreg [dreg:$0x0];
	s19 =	stileid.u32  }
0x2: {  	s0 =	rddreg [dreg:$0x1];
	s9 =	smul.u32 $0x14000, s19  }
0x3: {  	s4 =	rddreg [dreg:$0x2];
	s14 =	smul.u32 $0x2800, s19  }
0x4: {  	s2 =	rddreg [dreg:$0x3];
	s29 =	smul.u32 $0x280, s19  }
0x5: {  	s5 =	srdreg.scid;
	s31 =	smul.u32 $0x50000, s19  }
0x6: {  	s3 =	rddreg [dreg:$0x4];
	s8 =	sand.u32 $0x1, s5;
	s17 =	smul.u32 $0x2710, s19  }
0x7: {  	s5 =	simm.s32 $0x0;
	s6 =	sadd.s32 $0xAE00, s0;
	s7 =	smul.u32 $0x140000, s8  }
0x8: {  	[smem:$0x7FF] =	sst s5;
	s10 =	sshll.u32 s8, $0x4;
	s12 =	smul.u32 $0x28000, s8  }
0x9: {  	s28 =	ssub.s32 $0x2, s8;
	s8 =	smul.u32 $0x27100, s8;
	_ =	strace $0x80000047  }
0xa: {  	s10 =	sor.u32 s19, s10;
	s13 =	sshrl.u32 s28, $0x1;
	s20 =	sadd.s32 $0xF0, s29  }
0xb: {  	s21 =	sadd.s32 $0x140, s29;
	s25 =	sadd.s32 $0x190, s29;
	s26 =	sadd.s32 $0x1E0, s29  }
0xc: {  	s19 =	smul.u32 $0xA000, s19;
	s11 =	sadd.s32 s9, s7;
	s7 =	sadd.s32 $0x1000, s0  }
0xd: {  	s10 =	smul.u32 $0x2710, s10;
	s12 =	sadd.s32 s14, s12;
	s14 =	sadd.s32 s14, s3  }
0xe: {  	s17 =	sadd.s32 s17, s8;
	s22 =	sshll.u32 s20, $0x7;
	s23 =	sshll.u32 s21, $0x7  }
0xf: {  	s11 =	sshrl.u32 s11, $0x3;
	s30 =	sshrl.u32 s12, $0x3;
	s8 =	sadd.s32 s22, s2  }
0x10: {  	s24 =	sadd.s32 s23, s2;
	s22 =	sshll.u32 s25, $0x4;
	s23 =	sshll.u32 s26, $0x4  }
0x11: {  	s0 =	sadd.s32 s11, s0;
	s10 =	sshrl.u32 s10, $0x3;
	[dreg:$0xe] =	wrdreg s8  }
0x12: {  	[dreg:$0xf] =	wrdreg s24;
	s15 =	sadd.s32 $0xA, s10;
	s0 =	sadd.s32 $0x14C00, s0  }
0x13: {  	s11 =	ssub.s32 s28, s13;
	s16 =	sadd.s32 s6, s15;
	[dreg:$0x8] =	wrdreg s0  }
0x14: {  	s28 =	sadd.s32 $0x230, s29;
	s15 =	sadd.s32 s7, s15;
	[dreg:$0x6] =	wrdreg s16  }
0x15: {  	s24 =	sshll.u32 s28, $0x4;
	s0 =	sadd.s32 s4, s30;
	[dreg:$0x7] =	wrdreg s15  }
0x16: {  	s4 =	sor.u32 $0x50, s29;
	s15 =	sadd.s32 s9, s2;
	[dreg:$0x9] =	wrdreg s0  }
0x17: {  	s9 =	smax.u32 s11, $0x1;
	s11 =	sshrl.u32 s31, $0x2;
	s12 =	sshll.u32 s4, $0x7  }
0x18: {  	s16 =	sadd.s32 $0xA0, s29;
	s29 =	sshll.u32 s25, $0x7;
	s31 =	sshll.u32 s28, $0x7  }
0x19: {  	s4 =	sshll.u32 s4, $0x4;
	s25 =	sadd.s32 s24, s3;
	s28 =	sadd.s32 s7, s10  }
0x1a: {  	s24 =	simm.s32 $0x2;
	[dreg:$0xa] =	wrdreg s9;
	s0 =	sadd.s32 s11, s2  }
0x1b: {  	s18 =	sshll.u32 s16, $0x7;
	s13 =	sadd.s32 s29, s2;
	[dreg:$0x1a] =	wrdreg s25  }
0x1c: {  	s4 =	sadd.s32 s4, s3;
	[dreg:$0x1c] =	wrdreg s28;
	s29 =	sadd.s32 $0x4D8, s10  }
0x1d: {  	s25 =	simm.s32 $0x0;
	[dreg:$0xb] =	wrdreg s0;
	s0 =	sadd.s32 s12, s2  }
0x1e: {  	s11 =	sadd.s32 s18, s2;
	s18 =	sshll.u32 s26, $0x7;
	[dreg:$0x10] =	wrdreg s13  }
0x1f: {  	s13 =	sadd.s32 s31, s2;
	[dreg:$0x14] =	wrdreg s4;
	s26 =	sadd.s32 s6, s10  }
0x20: {  	s4 =	sadd.s32 s7, s29;
	s10 =	sadd.s32 $0xA0, s17;
	[dreg:$0xc] =	wrdreg s0  }
0x21: {  	s12 =	sshrl.u32 s14, $0x3;
	s14 =	simm.s32 $0x6;
	[dreg:$0xd] =	wrdreg s11  }
0x22: {  	s30 =	sadd.s32 s18, s2;
	[dreg:$0x12] =	wrdreg s13;
	s18 =	sshrl.u32 s19, $0x2  }
0x23: {  	s0 =	sshll.u32 s16, $0x4;
	s19 =	sshll.u32 s20, $0x4;
	s20 =	sshll.u32 s21, $0x4  }
0x24: {  	[dreg:$0x1b] =	wrdreg s26;
	s11 =	sshrl.u32 s15, $0x3;
	s15 =	simm.s32 $0x5140  }
0x25: {  	s16 =	simm.s32 $0xA0;
	[dreg:$0x11] =	wrdreg s30;
	s13 =	sadd.s32 s18, s3  }
0x26: {  	s0 =	sadd.s32 s0, s3;
	s21 =	sadd.s32 s20, s3;
	s30 =	sadd.s32 $0xF0, s17  }
0x27: {  	s17 =	simm.s32 $0x3;
	s18 =	simm.s32 $0x50;
	[dreg:$0x13] =	wrdreg s13  }
0x28: {  	s20 =	simm.s32 $0x1;
	[dreg:$0x15] =	wrdreg s0;
	s0 =	sadd.s32 s19, s3  }
0x29: {  	[dreg:$0x17] =	wrdreg s21;
	s31 =	sshrl.u32 s30, $0x3;
	s13 =	simm.s32 $0x140  }
0x2a: {  	s19 =	simm.s32 $0xF0;
	s21 =	simm.s32 $0x4;
	[dreg:$0x16] =	wrdreg s0  }
0x2b: {  	s0 =	sadd.s32 s22, s3;
	s8 =	sadd.s32 s31, s7;
	s9 =	sadd.s32 s31, s6  }
0x2c: {  	s22 =	simm.s32 $0x2940;
	[dreg:$0x18] =	wrdreg s0;
	s0 =	sadd.s32 s23, s3  }
0x2d: {  	v0 =	vimm.f32 $0.0e+00;
	v1 =	vimm.f32 $1.000000000e+00;
	s23 =	simm.s32 $0x5;
	[dreg:$0x19] =	wrdreg s0;
	s0 =	sadd.s32 s6, s29  }
.LBB2_1:
0x2e: {  	s26 =	simm.s32 $0x70;
	s28 =	simm.s32 $0x3C0  }
.LBB2_2:
0x2f: {  	p0 =	sne.s32 s28, $0x9FC0;
	[tilespmem:s26+$0x140] =	vst v0  }
0x30: {  	[tilespmem:s26+$0xD0] =	vst v0  }
0x31: {  	[tilespmem:s26+$0xE0] =	vst v0  }
.Ltmp0:
0x32: {  	[tilespmem:s26+$0xF0] =	vst v0;
	(pc) =	sbr.rel @p0 .LBB2_2-.Ltmp0, $4  }
0x33: {  	[tilespmem:s26+$0x100] =	vst v0  }
0x34: {  	[tilespmem:s26+$0x110] =	vst v0  }
0x35: {  	[tilespmem:s26+$0x120] =	vst v0  }
0x36: {  	[tilespmem:s26+$0x130] =	vst v0;
	s26 =	sshra.s32 s28, $0x2;
	s28 =	sadd.s32 $0x200, s28  }
0x37: {  	[tilespmem:s26+$0x140] =	vst v0  }
0x38: {  	[tilespmem:s26+$0xD0] =	vst v0  }
0x39: {  	[tilespmem:s26+$0xE0] =	vst v0  }
0x3a: {  	[tilespmem:s26+$0xF0] =	vst v0  }
0x3b: {  	[tilespmem:s26+$0x100] =	vst v0  }
0x3c: {  	[tilespmem:s26+$0x110] =	vst v0  }
0x3d: {  	[tilespmem:s26+$0x120] =	vst v0  }
0x3e: {  	[tilespmem:s26+$0x130] =	vst v0;
	s30 =	rddreg [dreg:$0xb]  }
0x3f: {  	[spmem:s30] =	stream.linear.scatter [tilespmem:s13], [sflag:$0x6], $0x2800, $0x38;
	[tilespmem:$0x1BE40] =	vst v63  }
0x40: {  	_ =	swait.ge [sflag:s14], $0x2800  }
0x41: {  	[sflag:s14] =	ssyncset.done $0x0  }
0x42: {  	s31 =	rddreg [dreg:$0xc];
	[sflag:s14] =	ssyncadd.s32 $0xFFFFD800  }
0x43: {  	[spmem:s31] =	stream.linear.scatter [tilespmem:s13], [sflag:$0x6], $0x2800, $0x38;
	[tilespmem:$0x1BE40] =	vst v63  }
0x44: {  	_ =	swait.ge [sflag:s14], $0x2800  }
0x45: {  	[sflag:s14] =	ssyncset.done $0x0  }
0x46: {  	s29 =	rddreg [dreg:$0xd];
	[sflag:s14] =	ssyncadd.s32 $0xFFFFD800  }
0x47: {  	[spmem:s29] =	stream.linear.scatter [tilespmem:s13], [sflag:$0x6], $0x2800, $0x38;
	[tilespmem:$0x1BE40] =	vst v63  }
0x48: {  	_ =	swait.ge [sflag:s14], $0x2800  }
0x49: {  	[sflag:s14] =	ssyncset.done $0x0  }
0x4a: {  	s30 =	rddreg [dreg:$0xe];
	[sflag:s14] =	ssyncadd.s32 $0xFFFFD800  }
0x4b: {  	[spmem:s30] =	stream.linear.scatter [tilespmem:s13], [sflag:$0x6], $0x2800, $0x38;
	[tilespmem:$0x1BE40] =	vst v63  }
0x4c: {  	_ =	swait.ge [sflag:s14], $0x2800  }
0x4d: {  	[sflag:s14] =	ssyncset.done $0x0  }
0x4e: {  	s31 =	rddreg [dreg:$0xf];
	[sflag:s14] =	ssyncadd.s32 $0xFFFFD800  }
0x4f: {  	[spmem:s31] =	stream.linear.scatter [tilespmem:s13], [sflag:$0x6], $0x2800, $0x38;
	[tilespmem:$0x1BE40] =	vst v63  }
0x50: {  	_ =	swait.ge [sflag:s14], $0x2800  }
0x51: {  	[sflag:s14] =	ssyncset.done $0x0  }
0x52: {  	s29 =	rddreg [dreg:$0x10];
	[sflag:s14] =	ssyncadd.s32 $0xFFFFD800  }
0x53: {  	[spmem:s29] =	stream.linear.scatter [tilespmem:s13], [sflag:$0x6], $0x2800, $0x38;
	[tilespmem:$0x1BE40] =	vst v63  }
0x54: {  	_ =	swait.ge [sflag:s14], $0x2800  }
0x55: {  	[sflag:s14] =	ssyncset.done $0x0  }
0x56: {  	s30 =	rddreg [dreg:$0x11];
	[sflag:s14] =	ssyncadd.s32 $0xFFFFD800  }
0x57: {  	[spmem:s30] =	stream.linear.scatter [tilespmem:s13], [sflag:$0x6], $0x2800, $0x38;
	[tilespmem:$0x1BE40] =	vst v63  }
0x58: {  	_ =	swait.ge [sflag:s14], $0x2800  }
0x59: {  	[sflag:s14] =	ssyncset.done $0x0  }
0x5a: {  	s31 =	rddreg [dreg:$0x12];
	[sflag:s14] =	ssyncadd.s32 $0xFFFFD800  }
0x5b: {  	[spmem:s31] =	stream.linear.scatter [tilespmem:s13], [sflag:$0x6], $0x2800, $0x38;
	[tilespmem:$0x1BE40] =	vst v63  }
0x5c: {  	_ =	swait.ge [sflag:s14], $0x2800  }
0x5d: {  	[sflag:s14] =	ssyncset.done $0x0  }
0x5e: {  	s26 =	simm.s32 $0x40;
	s28 =	simm.s32 $0x0;
	[sflag:s14] =	ssyncadd.s32 $0xFFFFD800  }
.LBB2_4:
0x5f: {  	p0 =	seq.s32 s26, $0x13C0;
	[tilespmem:s28+$0x5140] =	vst v0;
	s28 =	smov.u32 s26;
	s26 =	sadd.s32 $0x40, s26  }
.Ltmp1:
0x60: {  	(pc) =	sbr.rel @!p0 .LBB2_4-.Ltmp1, $2  }
0x61: {  	_ =	sdelay $0x2  }
0x62: {  	s28 =	sshra.s32 s28, $0x2  }
0x63: {  	[tilespmem:s28+$0x5140] =	vst v0;
	s26 =	rddreg [dreg:$0x13]  }
0x64: {  	[spmem:s26] =	stream.linear.scatter [tilespmem:s15], [sflag:$0x6], $0x500, $0x38;
	[tilespmem:$0x1BE40] =	vst v63  }
0x65: {  	_ =	swait.ge [sflag:s14], $0x500  }
0x66: {  	[sflag:s14] =	ssyncset.done $0x0  }
0x67: {  	s31 =	rddreg [dreg:$0x14];
	[sflag:s14] =	ssyncadd.s32 $0xFFFFFB00  }
0x68: {  	[spmem:s31] =	stream.linear.scatter [tilespmem:s15], [sflag:$0x6], $0x500, $0x38;
	[tilespmem:$0x1BE40] =	vst v63  }
0x69: {  	_ =	swait.ge [sflag:s14], $0x500  }
0x6a: {  	[sflag:s14] =	ssyncset.done $0x0  }
0x6b: {  	s29 =	rddreg [dreg:$0x15];
	[sflag:s14] =	ssyncadd.s32 $0xFFFFFB00  }
0x6c: {  	[spmem:s29] =	stream.linear.scatter [tilespmem:s15], [sflag:$0x6], $0x500, $0x38;
	[tilespmem:$0x1BE40] =	vst v63  }
0x6d: {  	_ =	swait.ge [sflag:s14], $0x500  }
0x6e: {  	[sflag:s14] =	ssyncset.done $0x0  }
0x6f: {  	s30 =	rddreg [dreg:$0x16];
	[sflag:s14] =	ssyncadd.s32 $0xFFFFFB00  }
0x70: {  	[spmem:s30] =	stream.linear.scatter [tilespmem:s15], [sflag:$0x6], $0x500, $0x38;
	[tilespmem:$0x1BE40] =	vst v63  }
0x71: {  	_ =	swait.ge [sflag:s14], $0x500  }
0x72: {  	[sflag:s14] =	ssyncset.done $0x0  }
0x73: {  	s31 =	rddreg [dreg:$0x17];
	[sflag:s14] =	ssyncadd.s32 $0xFFFFFB00  }
0x74: {  	[spmem:s31] =	stream.linear.scatter [tilespmem:s15], [sflag:$0x6], $0x500, $0x38;
	[tilespmem:$0x1BE40] =	vst v63  }
0x75: {  	_ =	swait.ge [sflag:s14], $0x500  }
0x76: {  	[sflag:s14] =	ssyncset.done $0x0  }
0x77: {  	s29 =	rddreg [dreg:$0x18];
	[sflag:s14] =	ssyncadd.s32 $0xFFFFFB00  }
0x78: {  	[spmem:s29] =	stream.linear.scatter [tilespmem:s15], [sflag:$0x6], $0x500, $0x38;
	[tilespmem:$0x1BE40] =	vst v63  }
0x79: {  	_ =	swait.ge [sflag:s14], $0x500  }
0x7a: {  	[sflag:s14] =	ssyncset.done $0x0  }
0x7b: {  	s30 =	rddreg [dreg:$0x19];
	[sflag:s14] =	ssyncadd.s32 $0xFFFFFB00  }
0x7c: {  	[spmem:s30] =	stream.linear.scatter [tilespmem:s15], [sflag:$0x6], $0x500, $0x38;
	[tilespmem:$0x1BE40] =	vst v63  }
0x7d: {  	_ =	swait.ge [sflag:s14], $0x500  }
0x7e: {  	[sflag:s14] =	ssyncset.done $0x0  }
0x7f: {  	s31 =	rddreg [dreg:$0x1a];
	[sflag:s14] =	ssyncadd.s32 $0xFFFFFB00  }
0x80: {  	[spmem:s31] =	stream.linear.scatter [tilespmem:s15], [sflag:$0x6], $0x500, $0x38;
	[tilespmem:$0x1BE40] =	vst v63  }
0x81: {  	_ =	swait.ge [sflag:s14], $0x500  }
0x82: {  	[sflag:s14] =	ssyncset.done $0x0  }
0x83: {  	s28 =	simm.s32 $0x0;
	s26 =	simm.s32 $0x40;
	[sflag:s14] =	ssyncadd.s32 $0xFFFFFB00  }
.LBB2_6:
0x84: {  	p0 =	sne.s32 s26, $0x13C0;
	[tilespmem:s28+$0x5140] =	vst v1;
	s28 =	smov.u32 s26;
	s26 =	sadd.s32 $0x40, s26  }
.Ltmp2:
0x85: {  	(pc) =	sbr.rel @p0 .LBB2_6-.Ltmp2, $2  }
0x86: {  	_ =	sdelay $0x2  }
0x87: {  	s28 =	sshra.s32 s28, $0x2  }
0x88: {  	[tilespmem:s28+$0x5140] =	vst v1  }
0x89: {  	[bflag:$0x0] =	sbarrier.arrive $0xFFFF  }
0x8a: {  	s26 =	simm.s32 $0x0;
	s28 =	rddreg [dreg:$0x1b]  }
0x8b: {  	[tilespmem:s26], [sflag:$0x3] =	stream.linear.gather [hbm4b:s28+s26], $0x50, $0x38;
	[tilespmem:$0x1BE40] =	vst v63  }
0x8c: {  	s28 =	rddreg [dreg:$0x1c]  }
0x8d: {  	[tilespmem:s16], [sflag:$0x3] =	stream.linear.gather [hbm4b:s28+s26], $0x50, $0x38;
	[tilespmem:$0x1BE40] =	vst v63  }
0x8e: {  	_ =	swait.ge [sflag:s17], $0x50  }
0x8f: {  	[sflag:s17] =	ssyncset.done $0x0  }
0x90: {  	[sflag:s17] =	ssyncadd.s32 $0xFFFFFFB0  }
0x91: {  	_ =	swait.ge [sflag:s17], $0x50  }
0x92: {  	[sflag:s17] =	ssyncset.done $0x0  }
0x93: {  	[sflag:s17] =	ssyncadd.s32 $0xFFFFFFB0  }
0x94: {  	[tilespmem:s13], [sflag:$0x1] =	stream.indirect.gather [hbm4b:s1+s18], $0x80, s26, s18, $0xb8;
	[tilespmem:$0x1BE40] =	vst v63  }
0x95: {  	s28 =	rddreg [dreg:$0x6]  }
0x96: {  	[tilespmem:s18], [sflag:$0x4] =	stream.linear.gather [hbm4b:s28+s26], $0x50, $0x38;
	[tilespmem:$0x1BE40] =	vst v63  }
0x97: {  	s28 =	rddreg [dreg:$0x7]  }
0x98: {  	[tilespmem:s19], [sflag:$0x4] =	stream.linear.gather [hbm4b:s28+s26], $0x50, $0x38;
	[tilespmem:$0x1BE40] =	vst v63  }
0x99: {  	_ =	swait.ge [sflag:s20], $0x2800  }
0x9a: {  	[sflag:s20] =	ssyncset.done $0x0  }
0x9b: {  	[sflag:s20] =	ssyncadd.s32 $0xFFFFD800  }
0x9c: {  	_ =	swait.ge [sflag:s21], $0x50  }
0x9d: {  	[sflag:s21] =	ssyncset.done $0x0  }
0x9e: {  	[sflag:s21] =	ssyncadd.s32 $0xFFFFFFB0  }
0x9f: {  	_ =	swait.ge [sflag:s21], $0x50  }
0xa0: {  	[sflag:s21] =	ssyncset.done $0x0  }
0xa1: {  	[sflag:s21] =	ssyncadd.s32 $0xFFFFFFB0  }
0xa2: {  	[tilespmem:s22], [sflag:$0x2] =	stream.indirect.gather [hbm4b:s1+s18], $0x80, s18, s18, $0xb8;
	[tilespmem:$0x1BE40] =	vst v63  }
0xa3: {  	_ = 	snop  }
0xa4: {  	[spmem:s3] =	stream.indirect.scatter.add.f32 [tilespmem:s15], [sflag:$0x5], $0x10, s16, s18, $0xb8;
	[tilespmem:$0x1BE40] =	vst v63  }
0xa5: {  	_ = 	snop  }
0xa6: {  	[spmem:s2] =	stream.indirect.scatter.add.f32 [tilespmem:s13], [sflag:$0x6], $0x80, s16, s18, $0xb8;
	[tilespmem:$0x1BE40] =	vst v63  }
0xa7: {  	_ =	swait.ge [sflag:s14], $0x2800  }
0xa8: {  	[sflag:s14] =	ssyncset.done $0x0  }
0xa9: {  	[sflag:s14] =	ssyncadd.s32 $0xFFFFD800  }
0xaa: {  	_ =	swait.ge [sflag:s23], $0x500  }
0xab: {  	s30 =	sshrl.u32 s10, $0x3;
	[sflag:s23] =	ssyncset.done $0x0  }
0xac: {  	s28 =	sadd.s32 s6, s30;
	[sflag:s23] =	ssyncadd.s32 $0xFFFFFB00  }
0xad: {  	[tilespmem:s5], [sflag:$0x3] =	stream.linear.gather [hbm4b:s28+s5], $0x50, $0x38;
	[tilespmem:$0x1BE40] =	vst v63  }
0xae: {  	s26 =	sadd.s32 s7, s30  }
0xaf: {  	[tilespmem:s16], [sflag:$0x3] =	stream.linear.gather [hbm4b:s26+s5], $0x50, $0x38;
	[tilespmem:$0x1BE40] =	vst v63  }
0xb0: {  	_ =	swait.ge [sflag:s24], $0x2800  }
0xb1: {  	[sflag:s24] =	ssyncset.done $0x0  }
0xb2: {  	[sflag:s24] =	ssyncadd.s32 $0xFFFFD800  }
0xb3: {  	_ =	swait.ge [sflag:s17], $0x50  }
0xb4: {  	[sflag:s17] =	ssyncset.done $0x0  }
0xb5: {  	[sflag:s17] =	ssyncadd.s32 $0xFFFFFFB0  }
0xb6: {  	_ =	swait.ge [sflag:s17], $0x50  }
0xb7: {  	[sflag:s17] =	ssyncset.done $0x0  }
0xb8: {  	[sflag:s17] =	ssyncadd.s32 $0xFFFFFFB0  }
0xb9: {  	[tilespmem:s13], [sflag:$0x1] =	stream.indirect.gather [hbm4b:s1+s18], $0x80, s5, s18, $0xb8;
	[tilespmem:$0x1BE40] =	vst v63  }
0xba: {  	_ = 	snop  }
0xbb: {  	[spmem:s3] =	stream.indirect.scatter.add.f32 [tilespmem:s15], [sflag:$0x5], $0x10, s19, s18, $0xb8;
	[tilespmem:$0x1BE40] =	vst v63  }
0xbc: {  	_ = 	snop  }
0xbd: {  	[spmem:s2] =	stream.indirect.scatter.add.f32 [tilespmem:s22], [sflag:$0x6], $0x80, s19, s18, $0xb8;
	[tilespmem:$0x1BE40] =	vst v63  }
0xbe: {  	_ =	swait.ge [sflag:s14], $0x2800  }
0xbf: {  	[sflag:s14] =	ssyncset.done $0x0  }
0xc0: {  	[sflag:s14] =	ssyncadd.s32 $0xFFFFD800  }
0xc1: {  	_ =	swait.ge [sflag:s23], $0x500  }
0xc2: {  	s31 =	sadd.s32 $0x0, s9;
	s29 =	sadd.s32 $0x0, s8;
	[sflag:s23] =	ssyncset.done $0x0  }
0xc3: {  	s28 =	sadd.s32 $0xA0, s10;
	s26 =	simm.s32 $0x14;
	[sflag:s23] =	ssyncadd.s32 $0xFFFFFB00  }
0xc4: {  	[tilespmem:s18], [sflag:$0x4] =	stream.linear.gather [hbm4b:s31+s5], $0x50, $0x38;
	[tilespmem:$0x1BE40] =	vst v63  }
.LBB2_8:
0xc5: {  	[tilespmem:s19], [sflag:$0x4] =	stream.linear.gather [hbm4b:s29+s5], $0x50, $0x38;
	[tilespmem:$0x1BE40] =	vst v63  }
0xc6: {  	s29 =	smov.u32 s26  }
0xc7: {  	p0 =	sne.s32 s26, $0x4B0;
	s26 =	sadd.s32 $0x14, s26;
	_ =	swait.ge [sflag:s20], $0x2800  }
0xc8: {  	[sflag:s20] =	ssyncset.done $0x0  }
0xc9: {  	[sflag:s20] =	ssyncadd.s32 $0xFFFFD800  }
0xca: {  	_ =	swait.ge [sflag:s21], $0x50  }
0xcb: {  	[sflag:s21] =	ssyncset.done $0x0  }
0xcc: {  	[sflag:s21] =	ssyncadd.s32 $0xFFFFFFB0  }
0xcd: {  	_ =	swait.ge [sflag:s21], $0x50  }
0xce: {  	[sflag:s21] =	ssyncset.done $0x0  }
0xcf: {  	[sflag:s21] =	ssyncadd.s32 $0xFFFFFFB0  }
0xd0: {  	[tilespmem:s22], [sflag:$0x2] =	stream.indirect.gather [hbm4b:s1+s18], $0x80, s18, s18, $0xb8;
	[tilespmem:$0x1BE40] =	vst v63  }
0xd1: {  	_ = 	snop  }
0xd2: {  	[spmem:s3] =	stream.indirect.scatter.add.f32 [tilespmem:s15], [sflag:$0x5], $0x10, s16, s18, $0xb8;
	[tilespmem:$0x1BE40] =	vst v63  }
0xd3: {  	_ = 	snop  }
0xd4: {  	[spmem:s2] =	stream.indirect.scatter.add.f32 [tilespmem:s13], [sflag:$0x6], $0x80, s16, s18, $0xb8;
	[tilespmem:$0x1BE40] =	vst v63  }
0xd5: {  	_ =	swait.ge [sflag:s14], $0x2800  }
0xd6: {  	[sflag:s14] =	ssyncset.done $0x0  }
0xd7: {  	[sflag:s14] =	ssyncadd.s32 $0xFFFFD800  }
0xd8: {  	_ =	swait.ge [sflag:s23], $0x500  }
0xd9: {  	s30 =	sshrl.u32 s28, $0x3;
	[sflag:s23] =	ssyncset.done $0x0  }
0xda: {  	s31 =	sadd.s32 s6, s30;
	[sflag:s23] =	ssyncadd.s32 $0xFFFFFB00  }
0xdb: {  	[tilespmem:s5], [sflag:$0x3] =	stream.linear.gather [hbm4b:s31+s5], $0x50, $0x38;
	[tilespmem:$0x1BE40] =	vst v63  }
0xdc: {  	s30 =	sadd.s32 s7, s30  }
0xdd: {  	[tilespmem:s16], [sflag:$0x3] =	stream.linear.gather [hbm4b:s30+s5], $0x50, $0x38;
	[tilespmem:$0x1BE40] =	vst v63  }
0xde: {  	_ =	swait.ge [sflag:s24], $0x2800  }
0xdf: {  	[sflag:s24] =	ssyncset.done $0x0  }
0xe0: {  	[sflag:s24] =	ssyncadd.s32 $0xFFFFD800  }
0xe1: {  	_ =	swait.ge [sflag:s17], $0x50  }
0xe2: {  	[sflag:s17] =	ssyncset.done $0x0  }
0xe3: {  	[sflag:s17] =	ssyncadd.s32 $0xFFFFFFB0  }
0xe4: {  	_ =	swait.ge [sflag:s17], $0x50  }
0xe5: {  	[sflag:s17] =	ssyncset.done $0x0  }
0xe6: {  	[sflag:s17] =	ssyncadd.s32 $0xFFFFFFB0  }
0xe7: {  	[tilespmem:s13], [sflag:$0x1] =	stream.indirect.gather [hbm4b:s1+s18], $0x80, s5, s18, $0xb8;
	[tilespmem:$0x1BE40] =	vst v63  }
0xe8: {  	_ = 	snop  }
0xe9: {  	[spmem:s3] =	stream.indirect.scatter.add.f32 [tilespmem:s15], [sflag:$0x5], $0x10, s19, s18, $0xb8;
	[tilespmem:$0x1BE40] =	vst v63  }
0xea: {  	_ = 	snop  }
0xeb: {  	[spmem:s2] =	stream.indirect.scatter.add.f32 [tilespmem:s22], [sflag:$0x6], $0x80, s19, s18, $0xb8;
	[tilespmem:$0x1BE40] =	vst v63  }
0xec: {  	_ =	swait.ge [sflag:s14], $0x2800  }
0xed: {  	[sflag:s14] =	ssyncset.done $0x0  }
0xee: {  	[sflag:s14] =	ssyncadd.s32 $0xFFFFD800  }
.Ltmp3:
0xef: {  	_ =	swait.ge [sflag:s23], $0x500;
	(pc) =	sbr.rel @p0 .LBB2_8-.Ltmp3, $4  }
0xf0: {  	[sflag:s23] =	ssyncset.done $0x0  }
0xf1: {  	s30 =	sadd.s32 s29, s9;
	[sflag:s23] =	ssyncadd.s32 $0xFFFFFB00  }
0xf2: {  	[tilespmem:s18], [sflag:$0x4] =	stream.linear.gather [hbm4b:s30+s5], $0x50, $0x38;
	[tilespmem:$0x1BE40] =	vst v63  }
0xf3: {  	s28 =	sadd.s32 $0xA0, s28;
	s29 =	sadd.s32 s29, s8  }
0xf4: {  	[tilespmem:s19], [sflag:$0x4] =	stream.linear.gather [hbm4b:s29+s5], $0x50, $0x38;
	[tilespmem:$0x1BE40] =	vst v63  }
0xf5: {  	_ =	swait.ge [sflag:s20], $0x2800  }
0xf6: {  	[sflag:s20] =	ssyncset.done $0x0  }
0xf7: {  	[sflag:s20] =	ssyncadd.s32 $0xFFFFD800  }
0xf8: {  	_ =	swait.ge [sflag:s21], $0x50  }
0xf9: {  	[sflag:s21] =	ssyncset.done $0x0  }
0xfa: {  	[sflag:s21] =	ssyncadd.s32 $0xFFFFFFB0  }
0xfb: {  	_ =	swait.ge [sflag:s21], $0x50  }
0xfc: {  	[sflag:s21] =	ssyncset.done $0x0  }
0xfd: {  	[sflag:s21] =	ssyncadd.s32 $0xFFFFFFB0  }
0xfe: {  	[tilespmem:s22], [sflag:$0x2] =	stream.indirect.gather [hbm4b:s1+s18], $0x80, s18, s18, $0xb8;
	[tilespmem:$0x1BE40] =	vst v63  }
0xff: {  	_ = 	snop  }
0x100: {  	[spmem:s3] =	stream.indirect.scatter.add.f32 [tilespmem:s15], [sflag:$0x5], $0x10, s16, s18, $0xb8;
	[tilespmem:$0x1BE40] =	vst v63  }
0x101: {  	_ = 	snop  }
0x102: {  	[spmem:s2] =	stream.indirect.scatter.add.f32 [tilespmem:s13], [sflag:$0x6], $0x80, s16, s18, $0xb8;
	[tilespmem:$0x1BE40] =	vst v63  }
0x103: {  	_ =	swait.ge [sflag:s14], $0x2800  }
0x104: {  	[sflag:s14] =	ssyncset.done $0x0  }
0x105: {  	[sflag:s14] =	ssyncadd.s32 $0xFFFFD800  }
0x106: {  	_ =	swait.ge [sflag:s23], $0x500  }
0x107: {  	[sflag:s23] =	ssyncset.done $0x0  }
0x108: {  	[sflag:s23] =	ssyncadd.s32 $0xFFFFFB00  }
0x109: {  	[tilespmem:s5], [sflag:$0x3] =	stream.linear.gather [hbm4b:s0+s5], $0x50, $0x38;
	[tilespmem:$0x1BE40] =	vst v63  }
0x10a: {  	_ = 	snop  }
0x10b: {  	[tilespmem:s16], [sflag:$0x3] =	stream.linear.gather [hbm4b:s4+s5], $0x50, $0x38;
	[tilespmem:$0x1BE40] =	vst v63  }
0x10c: {  	_ =	swait.ge [sflag:s24], $0x2800  }
0x10d: {  	[sflag:s24] =	ssyncset.done $0x0  }
0x10e: {  	[sflag:s24] =	ssyncadd.s32 $0xFFFFD800  }
0x10f: {  	_ =	swait.ge [sflag:s17], $0x50  }
0x110: {  	[sflag:s17] =	ssyncset.done $0x0  }
0x111: {  	[sflag:s17] =	ssyncadd.s32 $0xFFFFFFB0  }
0x112: {  	_ =	swait.ge [sflag:s17], $0x50  }
0x113: {  	[sflag:s17] =	ssyncset.done $0x0  }
0x114: {  	[sflag:s17] =	ssyncadd.s32 $0xFFFFFFB0  }
0x115: {  	[tilespmem:s13], [sflag:$0x1] =	stream.indirect.gather [hbm4b:s1+s18], $0x80, s5, s18, $0xb8;
	[tilespmem:$0x1BE40] =	vst v63  }
0x116: {  	_ = 	snop  }
0x117: {  	[spmem:s3] =	stream.indirect.scatter.add.f32 [tilespmem:s15], [sflag:$0x5], $0x10, s19, s18, $0xb8;
	[tilespmem:$0x1BE40] =	vst v63  }
0x118: {  	_ = 	snop  }
0x119: {  	[spmem:s2] =	stream.indirect.scatter.add.f32 [tilespmem:s22], [sflag:$0x6], $0x80, s19, s18, $0xb8;
	[tilespmem:$0x1BE40] =	vst v63  }
0x11a: {  	_ =	swait.ge [sflag:s14], $0x2800  }
0x11b: {  	[sflag:s14] =	ssyncset.done $0x0  }
0x11c: {  	[sflag:s14] =	ssyncadd.s32 $0xFFFFD800  }
0x11d: {  	_ =	swait.ge [sflag:s23], $0x500  }
0x11e: {  	[sflag:s23] =	ssyncset.done $0x0  }
0x11f: {  	[sflag:s23] =	ssyncadd.s32 $0xFFFFFB00  }
0x120: {  	_ =	swait.ge [sflag:s20], $0x2800  }
0x121: {  	[sflag:s20] =	ssyncset.done $0x0  }
0x122: {  	[sflag:s20] =	ssyncadd.s32 $0xFFFFD800  }
0x123: {  	[spmem:s3] =	stream.indirect.scatter.add.f32 [tilespmem:s15], [sflag:$0x5], $0x10, s16, s18, $0xb8;
	[tilespmem:$0x1BE40] =	vst v63  }
0x124: {  	_ = 	snop  }
0x125: {  	[spmem:s2] =	stream.indirect.scatter.add.f32 [tilespmem:s13], [sflag:$0x6], $0x80, s16, s18, $0xb8;
	[tilespmem:$0x1BE40] =	vst v63  }
0x126: {  	_ =	swait.ge [sflag:s14], $0x2800  }
0x127: {  	[sflag:s14] =	ssyncset.done $0x0  }
0x128: {  	[sflag:s14] =	ssyncadd.s32 $0xFFFFD800  }
0x129: {  	_ =	swait.ge [sflag:s23], $0x500  }
0x12a: {  	[sflag:s23] =	ssyncset.done $0x0  }
0x12b: {  	s26 =	stileid.u32;
	[sflag:s23] =	ssyncadd.s32 $0xFFFFFB00  }
0x12c: {  	s26 =	sshll.u32 s26, $0x6;
	[bflag:$0x0] =	sbarrier.arrive $0xFFFF  }
0x12d: {  	s26 =	sor.u32 $0x1C06, s26;
	s28 =	rddreg [dreg:$0x8]  }
0x12e: {  	[hbm:s28], [sflag:s26] =	dma.local [spmem:s11], $0x2800  }
0x12f: {  	_ =	swait.ge [sflag:s14], $0x2800  }
0x130: {  	[sflag:s14] =	ssyncset.done $0x0  }
0x131: {  	s30 =	rddreg [dreg:$0x9];
	[sflag:s14] =	ssyncadd.s32 $0xFFFFD800  }
0x132: {  	[hbm:s30], [sflag:s26] =	dma.local [spmem:s12], $0x500  }
0x133: {  	_ =	swait.ge [sflag:s14], $0x500  }
0x134: {  	s25 =	sadd.s32 $0x1, s25;
	s31 =	rddreg [dreg:$0xa]  }
0x135: {  	p0 =	sne.s32 s25, s31  }
.Ltmp4:
0x136: {  	_ = 	snop;
	(pc) =	sbr.rel @p0 .LBB2_1-.Ltmp4, $3  }
0x137: {  	_ =	sdelay $0x1  }
0x138: {  	[sflag:s14] =	ssyncset.done $0x0  }
0x139: {  	[sflag:s14] =	ssyncadd.s32 $0xFFFFFB00  }
0x13a: {  	_ =	sfence.sel $0x180000  }
0x13b: {  	[bflag:$0x0] =	sbarrier.arrive $0xFFFF  }
0x13c: {  	_ =	strace $0x90000047  }
0x13d: {  	s0 =	stileid.u32;
	[bflag:$0x2] =	sbarrier.arrive $0xFFFF  }
0x13e: {  	p0 =	sne.s32 s0, $0x0;
	s0 =	rddreg [dreg:$0x5]  }
0x13f: {  	s0 =	sadd.s32 @!p0 $0x100000, s0  }
0x140: {  	[sflag:s0] =	ssyncadd.tile.s32 @!p0 $0x1;
	_ =	shalt  }
.Lfunc_end2:
_tile_overlayer_lowered:
.L_overlay_start_2:
0x141: {  	(tag) =	ssettag $0x2  }
0x142: {  	s0 =	rddreg [dreg:$0x0];
	s2 =	stileid.u32  }
0x143: {  	s1 =	rddreg [dreg:$0x1];
	p0 =	sne.s32 s2, $0x0  }
0x144: {  	s3 =	rddreg [dreg:$0x2];
	[bflag:$0x3] =	sbarrier.arrive $0xFFFF;
	s2 =	simm.s32 @!p0 $0x1C06  }
0x145: {  	[timem:s3], [sflag:s2] =	dma.local @!p0 [hbm:s0], s1  }
0x146: {  	s0 =	simm.s32 @!p0 $0x6  }
0x147: {  	_ =	swait.ge @!p0 [sflag:s0], s1  }
0x148: {  	s1 =	ssub.s32 @!p0 $0x0, s1;
	[sflag:s0] =	ssyncset.done @!p0 $0x0  }
0x149: {  	[sflag:s0] =	ssyncadd.s32 @!p0 s1  }
0x14a: {  	[bflag:$0x3] =	sbarrier.arrive $0xFFFF  }
0x14b: {  	_ =	shalt  }

</sc_bundles>
